<compile_context>
chip_gen: v7x
topology: tpu7x:2x2x1
jax: 0.10.2.dev20260603
libtpu: 0.0.44.dev20260713+nightly
codegen_flags: <defaults>
</compile_context>

<pallas_src>
import jax
import jax.numpy as jnp
from jax.experimental import pallas as pl
from jax.experimental.pallas import tpu as pltpu

NUM_ITEMS = 100000
HIDDEN = 64
BATCH = 1024
SEQ = 50
TOP_K = 10

BJ = 2048
G = 16
NBLK = 49
NG_PAD = NBLK * BJ // G
NCAND = TOP_K * G
NEG = -3.0e38
PAD_VAL = -1.0e30
BIG_I = 2 ** 30


def _pool_body(rows_ref, ids_ref, w_ref, b_ref, out_ref):
    ids = ids_ref[...]
    mask = (ids > 0).astype(jnp.float32)
    rows = rows_ref[...] * mask[:, :, None]
    pooled = jnp.sum(rows, axis=1)
    cnt = jnp.maximum(jnp.sum(mask, axis=1, keepdims=True), 1.0)
    pooled = pooled / cnt
    out_ref[...] = jnp.tanh(
        jnp.dot(pooled, w_ref[...], preferred_element_type=jnp.float32)
        + b_ref[...])


def _groupmax_body(emb_ref, u_ref, mt_ref):
    st = jax.lax.dot_general(emb_ref[...], u_ref[...],
                             (((1,), (1,)), ((), ())),
                             preferred_element_type=jnp.float32)
    j = pl.program_id(0)
    row = jax.lax.broadcasted_iota(jnp.int32, (BJ, BATCH), 0) + j * BJ
    st = jnp.where(row < NUM_ITEMS, st, PAD_VAL)
    mt_ref[...] = jnp.max(st.reshape(BJ // G, G, BATCH), axis=1)


def _topgrp_body(mt_ref, out_ref):
    mv = mt_ref[...]
    rows = jax.lax.broadcasted_iota(jnp.int32, mv.shape, 0)
    for k in range(TOP_K):
        m = jnp.max(mv, axis=0, keepdims=True)
        idx = jnp.min(jnp.where(mv == m, rows, BIG_I), axis=0, keepdims=True)
        out_ref[pl.ds(k, 1), :] = idx
        mv = jnp.where(rows == idx, NEG, mv)
    out_ref[pl.ds(TOP_K, 6), :] = jnp.zeros((6, mv.shape[1]), jnp.int32)


def _rescore_body(e_ref, u_ref, ids_ref, out_ref):
    bt = u_ref.shape[0]
    r = jax.lax.dot_general(e_ref[...], u_ref[...],
                            (((1,), (1,)), ((), ())),
                            preferred_element_type=jnp.float32)
    r3 = r.reshape(bt, NCAND, bt)
    row = jax.lax.broadcasted_iota(jnp.int32, r3.shape, 0)
    col = jax.lax.broadcasted_iota(jnp.int32, r3.shape, 2)
    s = jnp.sum(jnp.where(row == col, r3, 0.0), axis=2)
    ids = ids_ref[...]
    for k in range(TOP_K):
        m = jnp.max(s, axis=1, keepdims=True)
        itm = jnp.min(jnp.where(s == m, ids, BIG_I), axis=1, keepdims=True)
        out_ref[:, pl.ds(k, 1)] = itm
        s = jnp.where(ids == itm, NEG, s)
    out_ref[:, pl.ds(TOP_K, 6)] = jnp.zeros((s.shape[0], 6), jnp.int32)


def _fuse_body(rows_ref, u_ref, wg_ref, bg_ref, out_ref):
    ret = jnp.mean(rows_ref[...], axis=1)
    u = u_ref[...]
    wg = wg_ref[...]
    gate = jax.nn.sigmoid(
        jnp.dot(u, wg[:HIDDEN], preferred_element_type=jnp.float32)
        + jnp.dot(ret, wg[HIDDEN:], preferred_element_type=jnp.float32)
        + bg_ref[...])
    out_ref[...] = gate * u + (1.0 - gate) * ret


def _logits_body(fused_ref, w_ref, b_ref, out_ref):
    out_ref[...] = jnp.dot(fused_ref[...], w_ref[...],
                           preferred_element_type=jnp.float32) + b_ref[...]


def kernel(sequence_ids, item_embeddings, W_rec, b_rec, W_gate, b_gate, W_proj, b_proj):
    sequence_ids = sequence_ids.astype(jnp.int32)
    safe_idx = jnp.maximum(sequence_ids - 1, 0)
    seq_rows = jnp.take(item_embeddings, safe_idx.reshape(-1), axis=0)
    seq_rows = seq_rows.reshape(BATCH, SEQ, HIDDEN)

    user_rep = pl.pallas_call(
        _pool_body,
        grid=(4,),
        in_specs=[
            pl.BlockSpec((BATCH // 4, SEQ, HIDDEN), lambda i: (i, 0, 0)),
            pl.BlockSpec((BATCH // 4, SEQ), lambda i: (i, 0)),
            pl.BlockSpec((HIDDEN, HIDDEN), lambda i: (0, 0)),
            pl.BlockSpec((1, HIDDEN), lambda i: (0, 0)),
        ],
        out_specs=pl.BlockSpec((BATCH // 4, HIDDEN), lambda i: (i, 0)),
        out_shape=jax.ShapeDtypeStruct((BATCH, HIDDEN), jnp.float32),
    )(seq_rows, sequence_ids, W_rec, b_rec.reshape(1, HIDDEN))

    m_t = pl.pallas_call(
        _groupmax_body,
        grid=(NBLK,),
        in_specs=[
            pl.BlockSpec((BJ, HIDDEN), lambda j: (j, 0)),
            pl.BlockSpec((BATCH, HIDDEN), lambda j: (0, 0)),
        ],
        out_specs=pl.BlockSpec((BJ // G, BATCH), lambda j: (j, 0)),
        out_shape=jax.ShapeDtypeStruct((NG_PAD, BATCH), jnp.float32),
        compiler_params=pltpu.CompilerParams(
            dimension_semantics=("arbitrary",)),
    )(item_embeddings, user_rep)

    grp_idx_t = pl.pallas_call(
        _topgrp_body,
        grid=(4,),
        in_specs=[pl.BlockSpec((NG_PAD, BATCH // 4), lambda i: (0, i))],
        out_specs=pl.BlockSpec((16, BATCH // 4), lambda i: (0, i)),
        out_shape=jax.ShapeDtypeStruct((16, BATCH), jnp.int32),
    )(m_t)

    grp_idx = grp_idx_t.T
    cand_ids = (grp_idx[:, :TOP_K, None] * G
                + jnp.arange(G, dtype=jnp.int32)[None, None, :])
    cand_ids = jnp.minimum(cand_ids.reshape(BATCH, NCAND), NUM_ITEMS - 1)
    e_cand = jnp.take(item_embeddings, cand_ids.reshape(-1), axis=0)

    BT = 64
    top_ids = pl.pallas_call(
        _rescore_body,
        grid=(BATCH // BT,),
        in_specs=[
            pl.BlockSpec((BT * NCAND, HIDDEN), lambda i: (i, 0)),
            pl.BlockSpec((BT, HIDDEN), lambda i: (i, 0)),
            pl.BlockSpec((BT, NCAND), lambda i: (i, 0)),
        ],
        out_specs=pl.BlockSpec((BT, 16), lambda i: (i, 0)),
        out_shape=jax.ShapeDtypeStruct((BATCH, 16), jnp.int32),
    )(e_cand, user_rep, cand_ids)

    ret_rows = jnp.take(item_embeddings, top_ids[:, :TOP_K].reshape(-1), axis=0)
    ret_rows = ret_rows.reshape(BATCH, TOP_K, HIDDEN)

    fused = pl.pallas_call(
        _fuse_body,
        grid=(4,),
        in_specs=[
            pl.BlockSpec((BATCH // 4, TOP_K, HIDDEN), lambda i: (i, 0, 0)),
            pl.BlockSpec((BATCH // 4, HIDDEN), lambda i: (i, 0)),
            pl.BlockSpec((2 * HIDDEN, HIDDEN), lambda i: (0, 0)),
            pl.BlockSpec((1, HIDDEN), lambda i: (0, 0)),
        ],
        out_specs=pl.BlockSpec((BATCH // 4, HIDDEN), lambda i: (i, 0)),
        out_shape=jax.ShapeDtypeStruct((BATCH, HIDDEN), jnp.float32),
    )(ret_rows, user_rep, W_gate, b_gate.reshape(1, HIDDEN))

    return pl.pallas_call(
        _logits_body,
        grid=(NBLK,),
        in_specs=[
            pl.BlockSpec((BATCH, HIDDEN), lambda j: (0, 0)),
            pl.BlockSpec((HIDDEN, BJ), lambda j: (0, j)),
            pl.BlockSpec((1, BJ), lambda j: (0, j)),
        ],
        out_specs=pl.BlockSpec((BATCH, BJ), lambda j: (0, j)),
        out_shape=jax.ShapeDtypeStruct((BATCH, NUM_ITEMS), jnp.float32),
        compiler_params=pltpu.CompilerParams(
            dimension_semantics=("arbitrary",)),
    )(fused, W_proj, b_proj.reshape(1, NUM_ITEMS))

# --- scband reference (transcript-rebuilt; emitter-appended) ---
"""Pipeline reference for scband-ragsequential-rec-6365141533105 (READ-ONLY COPY).

The authoritative reference and input builder live on the scoring server;
editing this copy changes nothing except your own understanding.
"""

import jax, jax.numpy as jnp
import numpy as np

NUM_ITEMS = 100000
HIDDEN = 64
BATCH = 1024
SEQ = 50
TOP_K = 10


def setup_inputs(seed: int = 0) -> dict:
    key = jax.random.key(seed)
    ks = jax.random.split(key, 8)
    sequence_ids = jax.random.randint(ks[0], (BATCH, SEQ), 0, NUM_ITEMS + 1)
    item_embeddings = jax.random.normal(ks[1], (NUM_ITEMS, HIDDEN), dtype=jnp.float32) * 0.02
    W_rec = jax.random.normal(ks[2], (HIDDEN, HIDDEN), dtype=jnp.float32) * 0.05
    b_rec = jnp.zeros((HIDDEN,), jnp.float32)
    W_gate = jax.random.normal(ks[3], (2 * HIDDEN, HIDDEN), dtype=jnp.float32) * 0.05
    b_gate = jnp.zeros((HIDDEN,), jnp.float32)
    W_proj = jax.random.normal(ks[4], (HIDDEN, NUM_ITEMS), dtype=jnp.float32) * 0.05
    b_proj = jnp.zeros((NUM_ITEMS,), jnp.float32)
    return {
        'sequence_ids': sequence_ids,
        'item_embeddings': item_embeddings,
        'W_rec': W_rec,
        'b_rec': b_rec,
        'W_gate': W_gate,
        'b_gate': b_gate,
        'W_proj': W_proj,
        'b_proj': b_proj,
    }


def reference(sequence_ids, item_embeddings, W_rec, b_rec, W_gate, b_gate, W_proj, b_proj):
    # Sequence embedding lookup: id==0 is padding -> zero vector, else item_embeddings[id-1]
    mask = (sequence_ids > 0).astype(jnp.float32)[..., None]          # [B, S, 1]
    safe_idx = jnp.maximum(sequence_ids - 1, 0)                        # [B, S]
    seq_emb = jnp.take(item_embeddings, safe_idx, axis=0) * mask      # [B, S, H]
    # base_model.rec_llm: mean-pool over sequence + linear + tanh
    pooled = seq_emb.sum(axis=1) / jnp.maximum(mask.sum(axis=1), 1.0)  # [B, H]
    user_rep = jnp.tanh(pooled @ W_rec + b_rec)                        # [B, H]
    # retriever.retrieve: dot-product kNN over the full item table
    scores = user_rep @ item_embeddings.T                              # [B, NUM_ITEMS]
    _, indices = jax.lax.top_k(scores, TOP_K)                          # [B, TOP_K]
    # gather retrieved item embeddings and mean over the k retrieved items
    retrieved = jnp.take(item_embeddings, indices, axis=0).mean(axis=1)  # [B, H]
    # gated fusion
    concat = jnp.concatenate([user_rep, retrieved], axis=1)            # [B, 2H]
    gate = jax.nn.sigmoid(concat @ W_gate + b_gate)                    # [B, H]
    fused = gate * user_rep + (1.0 - gate) * retrieved                 # [B, H]
    # base_model.projection_head
    logits = fused @ W_proj + b_proj                                   # [B, NUM_ITEMS]
    return logits

if __name__ == "__main__":
    import jax
    _d = setup_inputs()
    print(jax.jit(kernel)(*tuple(_d.values())))

</pallas_src>

<mosaic_0001>
module attributes {stable_mosaic.version = 14 : i64} {
  func.func @_pool_body(%arg0: i32, %arg1: memref<256x50x64xf32, #tpu.memory_space<vmem>>, %arg2: memref<256x50xi32, #tpu.memory_space<vmem>>, %arg3: memref<64x64xf32, #tpu.memory_space<vmem>>, %arg4: memref<1x64xf32, #tpu.memory_space<vmem>>, %arg5: memref<256x64xf32, #tpu.memory_space<vmem>>) attributes {dimension_semantics = [#tpu.dimension_semantics<arbitrary>], iteration_bounds = array<i64: 4>, scalar_prefetch = 0 : i64, scratch_operands = 0 : i64, tpu.core_type = #tpu.core_type<tc>, window_params = [{transform_indices = @transform_0, window_bounds = array<i64: 256, 50, 64>}, {transform_indices = @transform_1, window_bounds = array<i64: 256, 50>}, {pipeline_mode = #tpu.pipeline_mode<synchronous>, transform_indices = @transform_2, window_bounds = array<i64: 64, 64>}, {pipeline_mode = #tpu.pipeline_mode<synchronous>, transform_indices = @transform_3, window_bounds = array<i64: 1, 64>}, {transform_indices = @transform_4, window_bounds = array<i64: 256, 64>}]} {
    %get3A = arith.constant 0 : index
    %get3A_0 = arith.constant 0 : index
    %get3A_1 = vector.load %arg2[%get3A, %get3A_0] : memref<256x50xi32, #tpu.memory_space<vmem>>, vector<256x50xi32>
    %gt3A = arith.constant 0 : i32
    %gt3A_2 = vector.broadcast %gt3A : i32 to vector<256x50xi32>
    %gt3A_3 = arith.cmpi sgt, %get3A_1, %gt3A_2 : vector<256x50xi32>
    %convert_element_type3A = arith.extui %gt3A_3 : vector<256x50xi1> to vector<256x50xi32>
    %convert_element_type3A_4 = arith.sitofp %convert_element_type3A : vector<256x50xi32> to vector<256x50xf32>
    %get3A_5 = arith.constant 0 : index
    %get3A_6 = arith.constant 0 : index
    %get3A_7 = arith.constant 0 : index
    %get3A_8 = vector.load %arg1[%get3A_5, %get3A_6, %get3A_7] : memref<256x50x64xf32, #tpu.memory_space<vmem>>, vector<256x50x64xf32>
    %broadcast_in_dim3A = vector.shape_cast %convert_element_type3A_4 : vector<256x50xf32> to vector<256x50x1xf32>
    %mul3A = vector.broadcast %broadcast_in_dim3A : vector<256x50x1xf32> to vector<256x50x64xf32>
    %mul3A_9 = arith.mulf %get3A_8, %mul3A : vector<256x50x64xf32>
    %reduce_sum3A = arith.constant dense<0.000000e+00> : vector<256x64xf32>
    %reduce_sum3A_10 = vector.multi_reduction <add>, %mul3A_9, %reduce_sum3A [1] : vector<256x50x64xf32> to vector<256x64xf32>
    %reduce_sum3A_11 = arith.constant dense<0.000000e+00> : vector<256xf32>
    %reduce_sum3A_12 = vector.multi_reduction <add>, %convert_element_type3A_4, %reduce_sum3A_11 [1] : vector<256x50xf32> to vector<256xf32>
    %broadcast_in_dim3A_13 = vector.shape_cast %reduce_sum3A_12 : vector<256xf32> to vector<256x1xf32>
    %max3A = arith.constant 1.000000e+00 : f32
    %max3A_14 = vector.broadcast %max3A : f32 to vector<256x1xf32>
    %max3A_15 = arith.maximumf %broadcast_in_dim3A_13, %max3A_14 : vector<256x1xf32>
    %div3A = vector.broadcast %max3A_15 : vector<256x1xf32> to vector<256x64xf32>
    %div3A_16 = arith.divf %reduce_sum3A_10, %div3A : vector<256x64xf32>
    %get3A_17 = arith.constant 0 : index
    %get3A_18 = arith.constant 0 : index
    %get3A_19 = vector.load %arg3[%get3A_17, %get3A_18] : memref<64x64xf32, #tpu.memory_space<vmem>>, vector<64x64xf32>
    %dot_general3A = arith.constant dense<0.000000e+00> : vector<256x64xf32>
    %dot_general3A_20 = tpu.matmul %div3A_16, %get3A_19, %dot_general3A {dimension_numbers = #tpu.dot_dimension_numbers<[1], [0], [0], [1], [0, 0, 1, 1], [], []>, transpose_lhs_hint = false} : vector<256x64xf32>, vector<64x64xf32>, vector<256x64xf32> -> vector<256x64xf32>
    %get3A_21 = arith.constant 0 : index
    %get3A_22 = arith.constant 0 : index
    %get3A_23 = vector.load %arg4[%get3A_21, %get3A_22] : memref<1x64xf32, #tpu.memory_space<vmem>>, vector<1x64xf32>
    %add3A = vector.broadcast %get3A_23 : vector<1x64xf32> to vector<256x64xf32>
    %add3A_24 = arith.addf %dot_general3A_20, %add3A : vector<256x64xf32>
    %tanh3A = math.tanh %add3A_24 : vector<256x64xf32>
    %swap3A = arith.constant 0 : index
    %swap3A_25 = arith.constant 0 : index
    %swap3A_26 = vector.load %arg5[%swap3A, %swap3A_25] : memref<256x64xf32, #tpu.memory_space<vmem>>, vector<256x64xf32>
    tpu.vector_store %arg5[%swap3A, %swap3A_25], %tanh3A {strides = array<i32>} : memref<256x64xf32, #tpu.memory_space<vmem>>, vector<256x64xf32>,
    return
  }
  func.func @transform_0(%arg0: i32) -> (i32, i32, i32) {
    %c0_i32 = arith.constant 0 : i32
    %c0_i32_0 = arith.constant 0 : i32
    %c0_i32_1 = arith.constant 0 : i32
    return %arg0, %c0_i32, %c0_i32_0 : i32, i32, i32
  }
  func.func @transform_1(%arg0: i32) -> (i32, i32) {
    %c0_i32 = arith.constant 0 : i32
    %c0_i32_0 = arith.constant 0 : i32
    return %arg0, %c0_i32 : i32, i32
  }
  func.func @transform_2(%arg0: i32) -> (i32, i32) {
    %c0_i32 = arith.constant 0 : i32
    %c0_i32_0 = arith.constant 0 : i32
    %c0_i32_1 = arith.constant 0 : i32
    return %c0_i32, %c0_i32_0 : i32, i32
  }
  func.func @transform_3(%arg0: i32) -> (i32, i32) {
    %c0_i32 = arith.constant 0 : i32
    %c0_i32_0 = arith.constant 0 : i32
    %c0_i32_1 = arith.constant 0 : i32
    return %c0_i32, %c0_i32_0 : i32, i32
  }
  func.func @transform_4(%arg0: i32) -> (i32, i32) {
    %c0_i32 = arith.constant 0 : i32
    %c0_i32_0 = arith.constant 0 : i32
    return %arg0, %c0_i32 : i32, i32
  }
}

module attributes {stable_mosaic.version = 14 : i64} {
  func.func @_groupmax_body(%arg0: i32, %arg1: memref<2048x64xf32, #tpu.memory_space<vmem>>, %arg2: memref<1024x64xf32, #tpu.memory_space<vmem>>, %arg3: memref<128x1024xf32, #tpu.memory_space<vmem>>) attributes {dimension_semantics = [#tpu.dimension_semantics<arbitrary>], iteration_bounds = array<i64: 49>, scalar_prefetch = 0 : i64, scratch_operands = 0 : i64, tpu.core_type = #tpu.core_type<tc>, window_params = [{transform_indices = @transform_0, window_bounds = array<i64: 2048, 64>}, {pipeline_mode = #tpu.pipeline_mode<synchronous>, transform_indices = @transform_1, window_bounds = array<i64: 1024, 64>}, {transform_indices = @transform_2, window_bounds = array<i64: 128, 1024>}]} {
    %get3A = arith.constant 0 : index
    %get3A_0 = arith.constant 0 : index
    %get3A_1 = vector.load %arg1[%get3A, %get3A_0] : memref<2048x64xf32, #tpu.memory_space<vmem>>, vector<2048x64xf32>
    %get3A_2 = arith.constant 0 : index
    %get3A_3 = arith.constant 0 : index
    %get3A_4 = vector.load %arg2[%get3A_2, %get3A_3] : memref<1024x64xf32, #tpu.memory_space<vmem>>, vector<1024x64xf32>
    %dot_general3A = arith.constant dense<0.000000e+00> : vector<2048x1024xf32>
    %dot_general3A_5 = tpu.matmul %get3A_1, %get3A_4, %dot_general3A {dimension_numbers = #tpu.dot_dimension_numbers<[1], [1], [0], [0], [0, 0, 1, 0], [], []>, transpose_lhs_hint = false} : vector<2048x64xf32>, vector<1024x64xf32>, vector<2048x1024xf32> -> vector<2048x1024xf32>
    %iota3A = tpu.iota {dimensions = array<i32: 0>} : vector<2048x1024xi32>
    %mul3A = arith.constant 2048 : i32
    %mul3A_6 = arith.muli %arg0, %mul3A : i32
    %add3A = vector.broadcast %mul3A_6 : i32 to vector<2048x1024xi32>
    %add3A_7 = arith.addi %iota3A, %add3A : vector<2048x1024xi32>
    %lt3A = arith.constant 100000 : i32
    %lt3A_8 = vector.broadcast %lt3A : i32 to vector<2048x1024xi32>
    %lt3A_9 = arith.cmpi slt, %add3A_7, %lt3A_8 : vector<2048x1024xi32>
    %jit3A = arith.constant -1.000000e+30 : f32
    %broadcast_in_dim3A = vector.broadcast %jit3A : f32 to vector<2048x1024xf32>
    %select_n3A = arith.select %lt3A_9, %dot_general3A_5, %broadcast_in_dim3A : vector<2048x1024xi1>, vector<2048x1024xf32>
    %reshape3A = vector.shape_cast %select_n3A : vector<2048x1024xf32> to vector<128x16x1024xf32>
    %reduce_max3A = arith.constant dense<0xFF800000> : vector<128x1024xf32>
    %reduce_max3A_10 = vector.multi_reduction <maximumf>, %reshape3A, %reduce_max3A [1] : vector<128x16x1024xf32> to vector<128x1024xf32>
    %swap3A = arith.constant 0 : index
    %swap3A_11 = arith.constant 0 : index
    %swap3A_12 = vector.load %arg3[%swap3A, %swap3A_11] : memref<128x1024xf32, #tpu.memory_space<vmem>>, vector<128x1024xf32>
    tpu.vector_store %arg3[%swap3A, %swap3A_11], %reduce_max3A_10 {strides = array<i32>} : memref<128x1024xf32, #tpu.memory_space<vmem>>, vector<128x1024xf32>,
    return
  }
  func.func @transform_0(%arg0: i32) -> (i32, i32) {
    %c0_i32 = arith.constant 0 : i32
    %c0_i32_0 = arith.constant 0 : i32
    return %arg0, %c0_i32 : i32, i32
  }
  func.func @transform_1(%arg0: i32) -> (i32, i32) {
    %c0_i32 = arith.constant 0 : i32
    %c0_i32_0 = arith.constant 0 : i32
    %c0_i32_1 = arith.constant 0 : i32
    return %c0_i32, %c0_i32_0 : i32, i32
  }
  func.func @transform_2(%arg0: i32) -> (i32, i32) {
    %c0_i32 = arith.constant 0 : i32
    %c0_i32_0 = arith.constant 0 : i32
    return %arg0, %c0_i32 : i32, i32
  }
}

module attributes {stable_mosaic.version = 14 : i64} {
  func.func @_topgrp_body(%arg0: i32, %arg1: memref<6272x256xf32, #tpu.memory_space<vmem>>, %arg2: memref<16x256xi32, #tpu.memory_space<vmem>>) attributes {dimension_semantics = [#tpu.dimension_semantics<arbitrary>], iteration_bounds = array<i64: 4>, scalar_prefetch = 0 : i64, scratch_operands = 0 : i64, tpu.core_type = #tpu.core_type<tc>, window_params = [{transform_indices = @transform_0, window_bounds = array<i64: 6272, 256>}, {transform_indices = @transform_1, window_bounds = array<i64: 16, 256>}]} {
    %get3A = arith.constant 0 : index
    %get3A_0 = arith.constant 0 : index
    %get3A_1 = vector.load %arg1[%get3A, %get3A_0] : memref<6272x256xf32, #tpu.memory_space<vmem>>, vector<6272x256xf32>
    %iota3A = tpu.iota {dimensions = array<i32: 0>} : vector<6272x256xi32>
    %reduce_max3A = arith.constant dense<0xFF800000> : vector<256xf32>
    %reduce_max3A_2 = vector.multi_reduction <maximumf>, %get3A_1, %reduce_max3A [0] : vector<6272x256xf32> to vector<256xf32>
    %broadcast_in_dim3A = vector.shape_cast %reduce_max3A_2 : vector<256xf32> to vector<1x256xf32>
    %eq3A = vector.broadcast %broadcast_in_dim3A : vector<1x256xf32> to vector<6272x256xf32>
    %eq3A_3 = arith.cmpf oeq, %get3A_1, %eq3A : vector<6272x256xf32>
    %jit3A = arith.constant 1073741824 : i32
    %broadcast_in_dim3A_4 = vector.broadcast %jit3A : i32 to vector<6272x256xi32>
    %select_n3A = arith.select %eq3A_3, %iota3A, %broadcast_in_dim3A_4 : vector<6272x256xi1>, vector<6272x256xi32>
    %reduce_min3A = arith.constant dense<2147483647> : vector<256xi32>
    %reduce_min3A_5 = vector.multi_reduction <minsi>, %select_n3A, %reduce_min3A [0] : vector<6272x256xi32> to vector<256xi32>
    %broadcast_in_dim3A_6 = vector.shape_cast %reduce_min3A_5 : vector<256xi32> to vector<1x256xi32>
    %swap3A = arith.constant 0 : index
    %swap3A_7 = arith.constant 0 : index
    %swap3A_8 = vector.load %arg2[%swap3A, %swap3A_7] : memref<16x256xi32, #tpu.memory_space<vmem>>, vector<1x256xi32>
    tpu.vector_store %arg2[%swap3A, %swap3A_7], %broadcast_in_dim3A_6 {strides = array<i32>} : memref<16x256xi32, #tpu.memory_space<vmem>>, vector<1x256xi32>,
    %eq3A_9 = vector.broadcast %broadcast_in_dim3A_6 : vector<1x256xi32> to vector<6272x256xi32>
    %eq3A_10 = arith.cmpi eq, %iota3A, %eq3A_9 : vector<6272x256xi32>
    %jit3A_11 = arith.constant -3.000000e+38 : f32
    %broadcast_in_dim3A_12 = vector.broadcast %jit3A_11 : f32 to vector<6272x256xf32>
    %select_n3A_13 = arith.select %eq3A_10, %broadcast_in_dim3A_12, %get3A_1 : vector<6272x256xi1>, vector<6272x256xf32>
    %reduce_max3A_14 = arith.constant dense<0xFF800000> : vector<256xf32>
    %reduce_max3A_15 = vector.multi_reduction <maximumf>, %select_n3A_13, %reduce_max3A_14 [0] : vector<6272x256xf32> to vector<256xf32>
    %broadcast_in_dim3A_16 = vector.shape_cast %reduce_max3A_15 : vector<256xf32> to vector<1x256xf32>
    %eq3A_17 = vector.broadcast %broadcast_in_dim3A_16 : vector<1x256xf32> to vector<6272x256xf32>
    %eq3A_18 = arith.cmpf oeq, %select_n3A_13, %eq3A_17 : vector<6272x256xf32>
    %jit3A_19 = arith.constant 1073741824 : i32
    %broadcast_in_dim3A_20 = vector.broadcast %jit3A_19 : i32 to vector<6272x256xi32>
    %select_n3A_21 = arith.select %eq3A_18, %iota3A, %broadcast_in_dim3A_20 : vector<6272x256xi1>, vector<6272x256xi32>
    %reduce_min3A_22 = arith.constant dense<2147483647> : vector<256xi32>
    %reduce_min3A_23 = vector.multi_reduction <minsi>, %select_n3A_21, %reduce_min3A_22 [0] : vector<6272x256xi32> to vector<256xi32>
    %broadcast_in_dim3A_24 = vector.shape_cast %reduce_min3A_23 : vector<256xi32> to vector<1x256xi32>
    %swap3A_25 = arith.constant 1 : index
    %swap3A_26 = arith.constant 0 : index
    %swap3A_27 = vector.load %arg2[%swap3A_25, %swap3A_26] : memref<16x256xi32, #tpu.memory_space<vmem>>, vector<1x256xi32>
    tpu.vector_store %arg2[%swap3A_25, %swap3A_26], %broadcast_in_dim3A_24 {strides = array<i32>} : memref<16x256xi32, #tpu.memory_space<vmem>>, vector<1x256xi32>,
    %eq3A_28 = vector.broadcast %broadcast_in_dim3A_24 : vector<1x256xi32> to vector<6272x256xi32>
    %eq3A_29 = arith.cmpi eq, %iota3A, %eq3A_28 : vector<6272x256xi32>
    %jit3A_30 = arith.constant -3.000000e+38 : f32
    %broadcast_in_dim3A_31 = vector.broadcast %jit3A_30 : f32 to vector<6272x256xf32>
    %select_n3A_32 = arith.select %eq3A_29, %broadcast_in_dim3A_31, %select_n3A_13 : vector<6272x256xi1>, vector<6272x256xf32>
    %reduce_max3A_33 = arith.constant dense<0xFF800000> : vector<256xf32>
    %reduce_max3A_34 = vector.multi_reduction <maximumf>, %select_n3A_32, %reduce_max3A_33 [0] : vector<6272x256xf32> to vector<256xf32>
    %broadcast_in_dim3A_35 = vector.shape_cast %reduce_max3A_34 : vector<256xf32> to vector<1x256xf32>
    %eq3A_36 = vector.broadcast %broadcast_in_dim3A_35 : vector<1x256xf32> to vector<6272x256xf32>
    %eq3A_37 = arith.cmpf oeq, %select_n3A_32, %eq3A_36 : vector<6272x256xf32>
    %jit3A_38 = arith.constant 1073741824 : i32
    %broadcast_in_dim3A_39 = vector.broadcast %jit3A_38 : i32 to vector<6272x256xi32>
    %select_n3A_40 = arith.select %eq3A_37, %iota3A, %broadcast_in_dim3A_39 : vector<6272x256xi1>, vector<6272x256xi32>
    %reduce_min3A_41 = arith.constant dense<2147483647> : vector<256xi32>
    %reduce_min3A_42 = vector.multi_reduction <minsi>, %select_n3A_40, %reduce_min3A_41 [0] : vector<6272x256xi32> to vector<256xi32>
    %broadcast_in_dim3A_43 = vector.shape_cast %reduce_min3A_42 : vector<256xi32> to vector<1x256xi32>
    %swap3A_44 = arith.constant 2 : index
    %swap3A_45 = arith.constant 0 : index
    %swap3A_46 = vector.load %arg2[%swap3A_44, %swap3A_45] : memref<16x256xi32, #tpu.memory_space<vmem>>, vector<1x256xi32>
    tpu.vector_store %arg2[%swap3A_44, %swap3A_45], %broadcast_in_dim3A_43 {strides = array<i32>} : memref<16x256xi32, #tpu.memory_space<vmem>>, vector<1x256xi32>,
    %eq3A_47 = vector.broadcast %broadcast_in_dim3A_43 : vector<1x256xi32> to vector<6272x256xi32>
    %eq3A_48 = arith.cmpi eq, %iota3A, %eq3A_47 : vector<6272x256xi32>
    %jit3A_49 = arith.constant -3.000000e+38 : f32
    %broadcast_in_dim3A_50 = vector.broadcast %jit3A_49 : f32 to vector<6272x256xf32>
    %select_n3A_51 = arith.select %eq3A_48, %broadcast_in_dim3A_50, %select_n3A_32 : vector<6272x256xi1>, vector<6272x256xf32>
    %reduce_max3A_52 = arith.constant dense<0xFF800000> : vector<256xf32>
    %reduce_max3A_53 = vector.multi_reduction <maximumf>, %select_n3A_51, %reduce_max3A_52 [0] : vector<6272x256xf32> to vector<256xf32>
    %broadcast_in_dim3A_54 = vector.shape_cast %reduce_max3A_53 : vector<256xf32> to vector<1x256xf32>
    %eq3A_55 = vector.broadcast %broadcast_in_dim3A_54 : vector<1x256xf32> to vector<6272x256xf32>
    %eq3A_56 = arith.cmpf oeq, %select_n3A_51, %eq3A_55 : vector<6272x256xf32>
    %jit3A_57 = arith.constant 1073741824 : i32
    %broadcast_in_dim3A_58 = vector.broadcast %jit3A_57 : i32 to vector<6272x256xi32>
    %select_n3A_59 = arith.select %eq3A_56, %iota3A, %broadcast_in_dim3A_58 : vector<6272x256xi1>, vector<6272x256xi32>
    %reduce_min3A_60 = arith.constant dense<2147483647> : vector<256xi32>
    %reduce_min3A_61 = vector.multi_reduction <minsi>, %select_n3A_59, %reduce_min3A_60 [0] : vector<6272x256xi32> to vector<256xi32>
    %broadcast_in_dim3A_62 = vector.shape_cast %reduce_min3A_61 : vector<256xi32> to vector<1x256xi32>
    %swap3A_63 = arith.constant 3 : index
    %swap3A_64 = arith.constant 0 : index
    %swap3A_65 = vector.load %arg2[%swap3A_63, %swap3A_64] : memref<16x256xi32, #tpu.memory_space<vmem>>, vector<1x256xi32>
    tpu.vector_store %arg2[%swap3A_63, %swap3A_64], %broadcast_in_dim3A_62 {strides = array<i32>} : memref<16x256xi32, #tpu.memory_space<vmem>>, vector<1x256xi32>,
    %eq3A_66 = vector.broadcast %broadcast_in_dim3A_62 : vector<1x256xi32> to vector<6272x256xi32>
    %eq3A_67 = arith.cmpi eq, %iota3A, %eq3A_66 : vector<6272x256xi32>
    %jit3A_68 = arith.constant -3.000000e+38 : f32
    %broadcast_in_dim3A_69 = vector.broadcast %jit3A_68 : f32 to vector<6272x256xf32>
    %select_n3A_70 = arith.select %eq3A_67, %broadcast_in_dim3A_69, %select_n3A_51 : vector<6272x256xi1>, vector<6272x256xf32>
    %reduce_max3A_71 = arith.constant dense<0xFF800000> : vector<256xf32>
    %reduce_max3A_72 = vector.multi_reduction <maximumf>, %select_n3A_70, %reduce_max3A_71 [0] : vector<6272x256xf32> to vector<256xf32>
    %broadcast_in_dim3A_73 = vector.shape_cast %reduce_max3A_72 : vector<256xf32> to vector<1x256xf32>
    %eq3A_74 = vector.broadcast %broadcast_in_dim3A_73 : vector<1x256xf32> to vector<6272x256xf32>
    %eq3A_75 = arith.cmpf oeq, %select_n3A_70, %eq3A_74 : vector<6272x256xf32>
    %jit3A_76 = arith.constant 1073741824 : i32
    %broadcast_in_dim3A_77 = vector.broadcast %jit3A_76 : i32 to vector<6272x256xi32>
    %select_n3A_78 = arith.select %eq3A_75, %iota3A, %broadcast_in_dim3A_77 : vector<6272x256xi1>, vector<6272x256xi32>
    %reduce_min3A_79 = arith.constant dense<2147483647> : vector<256xi32>
    %reduce_min3A_80 = vector.multi_reduction <minsi>, %select_n3A_78, %reduce_min3A_79 [0] : vector<6272x256xi32> to vector<256xi32>
    %broadcast_in_dim3A_81 = vector.shape_cast %reduce_min3A_80 : vector<256xi32> to vector<1x256xi32>
    %swap3A_82 = arith.constant 4 : index
    %swap3A_83 = arith.constant 0 : index
    %swap3A_84 = vector.load %arg2[%swap3A_82, %swap3A_83] : memref<16x256xi32, #tpu.memory_space<vmem>>, vector<1x256xi32>
    tpu.vector_store %arg2[%swap3A_82, %swap3A_83], %broadcast_in_dim3A_81 {strides = array<i32>} : memref<16x256xi32, #tpu.memory_space<vmem>>, vector<1x256xi32>,
    %eq3A_85 = vector.broadcast %broadcast_in_dim3A_81 : vector<1x256xi32> to vector<6272x256xi32>
    %eq3A_86 = arith.cmpi eq, %iota3A, %eq3A_85 : vector<6272x256xi32>
    %jit3A_87 = arith.constant -3.000000e+38 : f32
    %broadcast_in_dim3A_88 = vector.broadcast %jit3A_87 : f32 to vector<6272x256xf32>
    %select_n3A_89 = arith.select %eq3A_86, %broadcast_in_dim3A_88, %select_n3A_70 : vector<6272x256xi1>, vector<6272x256xf32>
    %reduce_max3A_90 = arith.constant dense<0xFF800000> : vector<256xf32>
    %reduce_max3A_91 = vector.multi_reduction <maximumf>, %select_n3A_89, %reduce_max3A_90 [0] : vector<6272x256xf32> to vector<256xf32>
    %broadcast_in_dim3A_92 = vector.shape_cast %reduce_max3A_91 : vector<256xf32> to vector<1x256xf32>
    %eq3A_93 = vector.broadcast %broadcast_in_dim3A_92 : vector<1x256xf32> to vector<6272x256xf32>
    %eq3A_94 = arith.cmpf oeq, %select_n3A_89, %eq3A_93 : vector<6272x256xf32>
    %jit3A_95 = arith.constant 1073741824 : i32
    %broadcast_in_dim3A_96 = vector.broadcast %jit3A_95 : i32 to vector<6272x256xi32>
    %select_n3A_97 = arith.select %eq3A_94, %iota3A, %broadcast_in_dim3A_96 : vector<6272x256xi1>, vector<6272x256xi32>
    %reduce_min3A_98 = arith.constant dense<2147483647> : vector<256xi32>
    %reduce_min3A_99 = vector.multi_reduction <minsi>, %select_n3A_97, %reduce_min3A_98 [0] : vector<6272x256xi32> to vector<256xi32>
    %broadcast_in_dim3A_100 = vector.shape_cast %reduce_min3A_99 : vector<256xi32> to vector<1x256xi32>
    %swap3A_101 = arith.constant 5 : index
    %swap3A_102 = arith.constant 0 : index
    %swap3A_103 = vector.load %arg2[%swap3A_101, %swap3A_102] : memref<16x256xi32, #tpu.memory_space<vmem>>, vector<1x256xi32>
    tpu.vector_store %arg2[%swap3A_101, %swap3A_102], %broadcast_in_dim3A_100 {strides = array<i32>} : memref<16x256xi32, #tpu.memory_space<vmem>>, vector<1x256xi32>,
    %eq3A_104 = vector.broadcast %broadcast_in_dim3A_100 : vector<1x256xi32> to vector<6272x256xi32>
    %eq3A_105 = arith.cmpi eq, %iota3A, %eq3A_104 : vector<6272x256xi32>
    %jit3A_106 = arith.constant -3.000000e+38 : f32
    %broadcast_in_dim3A_107 = vector.broadcast %jit3A_106 : f32 to vector<6272x256xf32>
    %select_n3A_108 = arith.select %eq3A_105, %broadcast_in_dim3A_107, %select_n3A_89 : vector<6272x256xi1>, vector<6272x256xf32>
    %reduce_max3A_109 = arith.constant dense<0xFF800000> : vector<256xf32>
    %reduce_max3A_110 = vector.multi_reduction <maximumf>, %select_n3A_108, %reduce_max3A_109 [0] : vector<6272x256xf32> to vector<256xf32>
    %broadcast_in_dim3A_111 = vector.shape_cast %reduce_max3A_110 : vector<256xf32> to vector<1x256xf32>
    %eq3A_112 = vector.broadcast %broadcast_in_dim3A_111 : vector<1x256xf32> to vector<6272x256xf32>
    %eq3A_113 = arith.cmpf oeq, %select_n3A_108, %eq3A_112 : vector<6272x256xf32>
    %jit3A_114 = arith.constant 1073741824 : i32
    %broadcast_in_dim3A_115 = vector.broadcast %jit3A_114 : i32 to vector<6272x256xi32>
    %select_n3A_116 = arith.select %eq3A_113, %iota3A, %broadcast_in_dim3A_115 : vector<6272x256xi1>, vector<6272x256xi32>
    %reduce_min3A_117 = arith.constant dense<2147483647> : vector<256xi32>
    %reduce_min3A_118 = vector.multi_reduction <minsi>, %select_n3A_116, %reduce_min3A_117 [0] : vector<6272x256xi32> to vector<256xi32>
    %broadcast_in_dim3A_119 = vector.shape_cast %reduce_min3A_118 : vector<256xi32> to vector<1x256xi32>
    %swap3A_120 = arith.constant 6 : index
    %swap3A_121 = arith.constant 0 : index
    %swap3A_122 = vector.load %arg2[%swap3A_120, %swap3A_121] : memref<16x256xi32, #tpu.memory_space<vmem>>, vector<1x256xi32>
    tpu.vector_store %arg2[%swap3A_120, %swap3A_121], %broadcast_in_dim3A_119 {strides = array<i32>} : memref<16x256xi32, #tpu.memory_space<vmem>>, vector<1x256xi32>,
    %eq3A_123 = vector.broadcast %broadcast_in_dim3A_119 : vector<1x256xi32> to vector<6272x256xi32>
    %eq3A_124 = arith.cmpi eq, %iota3A, %eq3A_123 : vector<6272x256xi32>
    %jit3A_125 = arith.constant -3.000000e+38 : f32
    %broadcast_in_dim3A_126 = vector.broadcast %jit3A_125 : f32 to vector<6272x256xf32>
    %select_n3A_127 = arith.select %eq3A_124, %broadcast_in_dim3A_126, %select_n3A_108 : vector<6272x256xi1>, vector<6272x256xf32>
    %reduce_max3A_128 = arith.constant dense<0xFF800000> : vector<256xf32>
    %reduce_max3A_129 = vector.multi_reduction <maximumf>, %select_n3A_127, %reduce_max3A_128 [0] : vector<6272x256xf32> to vector<256xf32>
    %broadcast_in_dim3A_130 = vector.shape_cast %reduce_max3A_129 : vector<256xf32> to vector<1x256xf32>
    %eq3A_131 = vector.broadcast %broadcast_in_dim3A_130 : vector<1x256xf32> to vector<6272x256xf32>
    %eq3A_132 = arith.cmpf oeq, %select_n3A_127, %eq3A_131 : vector<6272x256xf32>
    %jit3A_133 = arith.constant 1073741824 : i32
    %broadcast_in_dim3A_134 = vector.broadcast %jit3A_133 : i32 to vector<6272x256xi32>
    %select_n3A_135 = arith.select %eq3A_132, %iota3A, %broadcast_in_dim3A_134 : vector<6272x256xi1>, vector<6272x256xi32>
    %reduce_min3A_136 = arith.constant dense<2147483647> : vector<256xi32>
    %reduce_min3A_137 = vector.multi_reduction <minsi>, %select_n3A_135, %reduce_min3A_136 [0] : vector<6272x256xi32> to vector<256xi32>
    %broadcast_in_dim3A_138 = vector.shape_cast %reduce_min3A_137 : vector<256xi32> to vector<1x256xi32>
    %swap3A_139 = arith.constant 7 : index
    %swap3A_140 = arith.constant 0 : index
    %swap3A_141 = vector.load %arg2[%swap3A_139, %swap3A_140] : memref<16x256xi32, #tpu.memory_space<vmem>>, vector<1x256xi32>
    tpu.vector_store %arg2[%swap3A_139, %swap3A_140], %broadcast_in_dim3A_138 {strides = array<i32>} : memref<16x256xi32, #tpu.memory_space<vmem>>, vector<1x256xi32>,
    %eq3A_142 = vector.broadcast %broadcast_in_dim3A_138 : vector<1x256xi32> to vector<6272x256xi32>
    %eq3A_143 = arith.cmpi eq, %iota3A, %eq3A_142 : vector<6272x256xi32>
    %jit3A_144 = arith.constant -3.000000e+38 : f32
    %broadcast_in_dim3A_145 = vector.broadcast %jit3A_144 : f32 to vector<6272x256xf32>
    %select_n3A_146 = arith.select %eq3A_143, %broadcast_in_dim3A_145, %select_n3A_127 : vector<6272x256xi1>, vector<6272x256xf32>
    %reduce_max3A_147 = arith.constant dense<0xFF800000> : vector<256xf32>
    %reduce_max3A_148 = vector.multi_reduction <maximumf>, %select_n3A_146, %reduce_max3A_147 [0] : vector<6272x256xf32> to vector<256xf32>
    %broadcast_in_dim3A_149 = vector.shape_cast %reduce_max3A_148 : vector<256xf32> to vector<1x256xf32>
    %eq3A_150 = vector.broadcast %broadcast_in_dim3A_149 : vector<1x256xf32> to vector<6272x256xf32>
    %eq3A_151 = arith.cmpf oeq, %select_n3A_146, %eq3A_150 : vector<6272x256xf32>
    %jit3A_152 = arith.constant 1073741824 : i32
    %broadcast_in_dim3A_153 = vector.broadcast %jit3A_152 : i32 to vector<6272x256xi32>
    %select_n3A_154 = arith.select %eq3A_151, %iota3A, %broadcast_in_dim3A_153 : vector<6272x256xi1>, vector<6272x256xi32>
    %reduce_min3A_155 = arith.constant dense<2147483647> : vector<256xi32>
    %reduce_min3A_156 = vector.multi_reduction <minsi>, %select_n3A_154, %reduce_min3A_155 [0] : vector<6272x256xi32> to vector<256xi32>
    %broadcast_in_dim3A_157 = vector.shape_cast %reduce_min3A_156 : vector<256xi32> to vector<1x256xi32>
    %swap3A_158 = arith.constant 8 : index
    %swap3A_159 = arith.constant 0 : index
    %swap3A_160 = vector.load %arg2[%swap3A_158, %swap3A_159] : memref<16x256xi32, #tpu.memory_space<vmem>>, vector<1x256xi32>
    tpu.vector_store %arg2[%swap3A_158, %swap3A_159], %broadcast_in_dim3A_157 {strides = array<i32>} : memref<16x256xi32, #tpu.memory_space<vmem>>, vector<1x256xi32>,
    %eq3A_161 = vector.broadcast %broadcast_in_dim3A_157 : vector<1x256xi32> to vector<6272x256xi32>
    %eq3A_162 = arith.cmpi eq, %iota3A, %eq3A_161 : vector<6272x256xi32>
    %jit3A_163 = arith.constant -3.000000e+38 : f32
    %broadcast_in_dim3A_164 = vector.broadcast %jit3A_163 : f32 to vector<6272x256xf32>
    %select_n3A_165 = arith.select %eq3A_162, %broadcast_in_dim3A_164, %select_n3A_146 : vector<6272x256xi1>, vector<6272x256xf32>
    %reduce_max3A_166 = arith.constant dense<0xFF800000> : vector<256xf32>
    %reduce_max3A_167 = vector.multi_reduction <maximumf>, %select_n3A_165, %reduce_max3A_166 [0] : vector<6272x256xf32> to vector<256xf32>
    %broadcast_in_dim3A_168 = vector.shape_cast %reduce_max3A_167 : vector<256xf32> to vector<1x256xf32>
    %eq3A_169 = vector.broadcast %broadcast_in_dim3A_168 : vector<1x256xf32> to vector<6272x256xf32>
    %eq3A_170 = arith.cmpf oeq, %select_n3A_165, %eq3A_169 : vector<6272x256xf32>
    %jit3A_171 = arith.constant 1073741824 : i32
    %broadcast_in_dim3A_172 = vector.broadcast %jit3A_171 : i32 to vector<6272x256xi32>
    %select_n3A_173 = arith.select %eq3A_170, %iota3A, %broadcast_in_dim3A_172 : vector<6272x256xi1>, vector<6272x256xi32>
    %reduce_min3A_174 = arith.constant dense<2147483647> : vector<256xi32>
    %reduce_min3A_175 = vector.multi_reduction <minsi>, %select_n3A_173, %reduce_min3A_174 [0] : vector<6272x256xi32> to vector<256xi32>
    %broadcast_in_dim3A_176 = vector.shape_cast %reduce_min3A_175 : vector<256xi32> to vector<1x256xi32>
    %swap3A_177 = arith.constant 9 : index
    %swap3A_178 = arith.constant 0 : index
    %swap3A_179 = vector.load %arg2[%swap3A_177, %swap3A_178] : memref<16x256xi32, #tpu.memory_space<vmem>>, vector<1x256xi32>
    tpu.vector_store %arg2[%swap3A_177, %swap3A_178], %broadcast_in_dim3A_176 {strides = array<i32>} : memref<16x256xi32, #tpu.memory_space<vmem>>, vector<1x256xi32>,
    %broadcast_in_dim3A_180 = arith.constant 0 : i32
    %broadcast_in_dim3A_181 = vector.broadcast %broadcast_in_dim3A_180 : i32 to vector<6x256xi32>
    %swap3A_182 = arith.constant 10 : index
    %swap3A_183 = arith.constant 0 : index
    %swap3A_184 = vector.load %arg2[%swap3A_182, %swap3A_183] : memref<16x256xi32, #tpu.memory_space<vmem>>, vector<6x256xi32>
    tpu.vector_store %arg2[%swap3A_182, %swap3A_183], %broadcast_in_dim3A_181 {strides = array<i32>} : memref<16x256xi32, #tpu.memory_space<vmem>>, vector<6x256xi32>,
    return
  }
  func.func @transform_0(%arg0: i32) -> (i32, i32) {
    %c0_i32 = arith.constant 0 : i32
    %c0_i32_0 = arith.constant 0 : i32
    return %c0_i32, %arg0 : i32, i32
  }
  func.func @transform_1(%arg0: i32) -> (i32, i32) {
    %c0_i32 = arith.constant 0 : i32
    %c0_i32_0 = arith.constant 0 : i32
    return %c0_i32, %arg0 : i32, i32
  }
}

module attributes {stable_mosaic.version = 14 : i64} {
  func.func @_rescore_body(%arg0: i32, %arg1: memref<10240x64xf32, #tpu.memory_space<vmem>>, %arg2: memref<64x64xf32, #tpu.memory_space<vmem>>, %arg3: memref<64x160xi32, #tpu.memory_space<vmem>>, %arg4: memref<64x16xi32, #tpu.memory_space<vmem>>) attributes {dimension_semantics = [#tpu.dimension_semantics<arbitrary>], iteration_bounds = array<i64: 16>, scalar_prefetch = 0 : i64, scratch_operands = 0 : i64, tpu.core_type = #tpu.core_type<tc>, window_params = [{transform_indices = @transform_0, window_bounds = array<i64: 10240, 64>}, {transform_indices = @transform_1, window_bounds = array<i64: 64, 64>}, {transform_indices = @transform_2, window_bounds = array<i64: 64, 160>}, {transform_indices = @transform_3, window_bounds = array<i64: 64, 16>}]} {
    %get3A = arith.constant 0 : index
    %get3A_0 = arith.constant 0 : index
    %get3A_1 = vector.load %arg1[%get3A, %get3A_0] : memref<10240x64xf32, #tpu.memory_space<vmem>>, vector<10240x64xf32>
    %get3A_2 = arith.constant 0 : index
    %get3A_3 = arith.constant 0 : index
    %get3A_4 = vector.load %arg2[%get3A_2, %get3A_3] : memref<64x64xf32, #tpu.memory_space<vmem>>, vector<64x64xf32>
    %dot_general3A = arith.constant dense<0.000000e+00> : vector<10240x64xf32>
    %dot_general3A_5 = tpu.matmul %get3A_1, %get3A_4, %dot_general3A {dimension_numbers = #tpu.dot_dimension_numbers<[1], [1], [0], [0], [0, 0, 1, 0], [], []>, transpose_lhs_hint = false} : vector<10240x64xf32>, vector<64x64xf32>, vector<10240x64xf32> -> vector<10240x64xf32>
    %reshape3A = vector.shape_cast %dot_general3A_5 : vector<10240x64xf32> to vector<64x160x64xf32>
    %iota3A = tpu.iota {dimensions = array<i32: 0>} : vector<64x160x64xi32>
    %iota3A_6 = tpu.iota {dimensions = array<i32: 2>} : vector<64x160x64xi32>
    %eq3A = arith.cmpi eq, %iota3A, %iota3A_6 : vector<64x160x64xi32>
    %jit3A = arith.constant 0.000000e+00 : f32
    %broadcast_in_dim3A = vector.broadcast %jit3A : f32 to vector<64x160x64xf32>
    %select_n3A = arith.select %eq3A, %reshape3A, %broadcast_in_dim3A : vector<64x160x64xi1>, vector<64x160x64xf32>
    %reduce_sum3A = arith.constant dense<0.000000e+00> : vector<64x160xf32>
    %reduce_sum3A_7 = vector.multi_reduction <add>, %select_n3A, %reduce_sum3A [2] : vector<64x160x64xf32> to vector<64x160xf32>
    %get3A_8 = arith.constant 0 : index
    %get3A_9 = arith.constant 0 : index
    %get3A_10 = vector.load %arg3[%get3A_8, %get3A_9] : memref<64x160xi32, #tpu.memory_space<vmem>>, vector<64x160xi32>
    %reduce_max3A = arith.constant dense<0xFF800000> : vector<64xf32>
    %reduce_max3A_11 = vector.multi_reduction <maximumf>, %reduce_sum3A_7, %reduce_max3A [1] : vector<64x160xf32> to vector<64xf32>
    %broadcast_in_dim3A_12 = vector.shape_cast %reduce_max3A_11 : vector<64xf32> to vector<64x1xf32>
    %eq3A_13 = vector.broadcast %broadcast_in_dim3A_12 : vector<64x1xf32> to vector<64x160xf32>
    %eq3A_14 = arith.cmpf oeq, %reduce_sum3A_7, %eq3A_13 : vector<64x160xf32>
    %jit3A_15 = arith.constant 1073741824 : i32
    %broadcast_in_dim3A_16 = vector.broadcast %jit3A_15 : i32 to vector<64x160xi32>
    %select_n3A_17 = arith.select %eq3A_14, %get3A_10, %broadcast_in_dim3A_16 : vector<64x160xi1>, vector<64x160xi32>
    %reduce_min3A = arith.constant dense<2147483647> : vector<64xi32>
    %reduce_min3A_18 = vector.multi_reduction <minsi>, %select_n3A_17, %reduce_min3A [1] : vector<64x160xi32> to vector<64xi32>
    %broadcast_in_dim3A_19 = vector.shape_cast %reduce_min3A_18 : vector<64xi32> to vector<64x1xi32>
    %swap3A = arith.constant 0 : index
    %swap3A_20 = arith.constant 0 : index
    %swap3A_21 = vector.load %arg4[%swap3A, %swap3A_20] : memref<64x16xi32, #tpu.memory_space<vmem>>, vector<64x1xi32>
    tpu.vector_store %arg4[%swap3A, %swap3A_20], %broadcast_in_dim3A_19 {strides = array<i32>} : memref<64x16xi32, #tpu.memory_space<vmem>>, vector<64x1xi32>,
    %eq3A_22 = vector.broadcast %broadcast_in_dim3A_19 : vector<64x1xi32> to vector<64x160xi32>
    %eq3A_23 = arith.cmpi eq, %get3A_10, %eq3A_22 : vector<64x160xi32>
    %jit3A_24 = arith.constant -3.000000e+38 : f32
    %broadcast_in_dim3A_25 = vector.broadcast %jit3A_24 : f32 to vector<64x160xf32>
    %select_n3A_26 = arith.select %eq3A_23, %broadcast_in_dim3A_25, %reduce_sum3A_7 : vector<64x160xi1>, vector<64x160xf32>
    %reduce_max3A_27 = arith.constant dense<0xFF800000> : vector<64xf32>
    %reduce_max3A_28 = vector.multi_reduction <maximumf>, %select_n3A_26, %reduce_max3A_27 [1] : vector<64x160xf32> to vector<64xf32>
    %broadcast_in_dim3A_29 = vector.shape_cast %reduce_max3A_28 : vector<64xf32> to vector<64x1xf32>
    %eq3A_30 = vector.broadcast %broadcast_in_dim3A_29 : vector<64x1xf32> to vector<64x160xf32>
    %eq3A_31 = arith.cmpf oeq, %select_n3A_26, %eq3A_30 : vector<64x160xf32>
    %jit3A_32 = arith.constant 1073741824 : i32
    %broadcast_in_dim3A_33 = vector.broadcast %jit3A_32 : i32 to vector<64x160xi32>
    %select_n3A_34 = arith.select %eq3A_31, %get3A_10, %broadcast_in_dim3A_33 : vector<64x160xi1>, vector<64x160xi32>
    %reduce_min3A_35 = arith.constant dense<2147483647> : vector<64xi32>
    %reduce_min3A_36 = vector.multi_reduction <minsi>, %select_n3A_34, %reduce_min3A_35 [1] : vector<64x160xi32> to vector<64xi32>
    %broadcast_in_dim3A_37 = vector.shape_cast %reduce_min3A_36 : vector<64xi32> to vector<64x1xi32>
    %swap3A_38 = arith.constant 0 : index
    %swap3A_39 = arith.constant 1 : index
    %swap3A_40 = vector.load %arg4[%swap3A_38, %swap3A_39] : memref<64x16xi32, #tpu.memory_space<vmem>>, vector<64x1xi32>
    tpu.vector_store %arg4[%swap3A_38, %swap3A_39], %broadcast_in_dim3A_37 {strides = array<i32>} : memref<64x16xi32, #tpu.memory_space<vmem>>, vector<64x1xi32>,
    %eq3A_41 = vector.broadcast %broadcast_in_dim3A_37 : vector<64x1xi32> to vector<64x160xi32>
    %eq3A_42 = arith.cmpi eq, %get3A_10, %eq3A_41 : vector<64x160xi32>
    %jit3A_43 = arith.constant -3.000000e+38 : f32
    %broadcast_in_dim3A_44 = vector.broadcast %jit3A_43 : f32 to vector<64x160xf32>
    %select_n3A_45 = arith.select %eq3A_42, %broadcast_in_dim3A_44, %select_n3A_26 : vector<64x160xi1>, vector<64x160xf32>
    %reduce_max3A_46 = arith.constant dense<0xFF800000> : vector<64xf32>
    %reduce_max3A_47 = vector.multi_reduction <maximumf>, %select_n3A_45, %reduce_max3A_46 [1] : vector<64x160xf32> to vector<64xf32>
    %broadcast_in_dim3A_48 = vector.shape_cast %reduce_max3A_47 : vector<64xf32> to vector<64x1xf32>
    %eq3A_49 = vector.broadcast %broadcast_in_dim3A_48 : vector<64x1xf32> to vector<64x160xf32>
    %eq3A_50 = arith.cmpf oeq, %select_n3A_45, %eq3A_49 : vector<64x160xf32>
    %jit3A_51 = arith.constant 1073741824 : i32
    %broadcast_in_dim3A_52 = vector.broadcast %jit3A_51 : i32 to vector<64x160xi32>
    %select_n3A_53 = arith.select %eq3A_50, %get3A_10, %broadcast_in_dim3A_52 : vector<64x160xi1>, vector<64x160xi32>
    %reduce_min3A_54 = arith.constant dense<2147483647> : vector<64xi32>
    %reduce_min3A_55 = vector.multi_reduction <minsi>, %select_n3A_53, %reduce_min3A_54 [1] : vector<64x160xi32> to vector<64xi32>
    %broadcast_in_dim3A_56 = vector.shape_cast %reduce_min3A_55 : vector<64xi32> to vector<64x1xi32>
    %swap3A_57 = arith.constant 0 : index
    %swap3A_58 = arith.constant 2 : index
    %swap3A_59 = vector.load %arg4[%swap3A_57, %swap3A_58] : memref<64x16xi32, #tpu.memory_space<vmem>>, vector<64x1xi32>
    tpu.vector_store %arg4[%swap3A_57, %swap3A_58], %broadcast_in_dim3A_56 {strides = array<i32>} : memref<64x16xi32, #tpu.memory_space<vmem>>, vector<64x1xi32>,
    %eq3A_60 = vector.broadcast %broadcast_in_dim3A_56 : vector<64x1xi32> to vector<64x160xi32>
    %eq3A_61 = arith.cmpi eq, %get3A_10, %eq3A_60 : vector<64x160xi32>
    %jit3A_62 = arith.constant -3.000000e+38 : f32
    %broadcast_in_dim3A_63 = vector.broadcast %jit3A_62 : f32 to vector<64x160xf32>
    %select_n3A_64 = arith.select %eq3A_61, %broadcast_in_dim3A_63, %select_n3A_45 : vector<64x160xi1>, vector<64x160xf32>
    %reduce_max3A_65 = arith.constant dense<0xFF800000> : vector<64xf32>
    %reduce_max3A_66 = vector.multi_reduction <maximumf>, %select_n3A_64, %reduce_max3A_65 [1] : vector<64x160xf32> to vector<64xf32>
    %broadcast_in_dim3A_67 = vector.shape_cast %reduce_max3A_66 : vector<64xf32> to vector<64x1xf32>
    %eq3A_68 = vector.broadcast %broadcast_in_dim3A_67 : vector<64x1xf32> to vector<64x160xf32>
    %eq3A_69 = arith.cmpf oeq, %select_n3A_64, %eq3A_68 : vector<64x160xf32>
    %jit3A_70 = arith.constant 1073741824 : i32
    %broadcast_in_dim3A_71 = vector.broadcast %jit3A_70 : i32 to vector<64x160xi32>
    %select_n3A_72 = arith.select %eq3A_69, %get3A_10, %broadcast_in_dim3A_71 : vector<64x160xi1>, vector<64x160xi32>
    %reduce_min3A_73 = arith.constant dense<2147483647> : vector<64xi32>
    %reduce_min3A_74 = vector.multi_reduction <minsi>, %select_n3A_72, %reduce_min3A_73 [1] : vector<64x160xi32> to vector<64xi32>
    %broadcast_in_dim3A_75 = vector.shape_cast %reduce_min3A_74 : vector<64xi32> to vector<64x1xi32>
    %swap3A_76 = arith.constant 0 : index
    %swap3A_77 = arith.constant 3 : index
    %swap3A_78 = vector.load %arg4[%swap3A_76, %swap3A_77] : memref<64x16xi32, #tpu.memory_space<vmem>>, vector<64x1xi32>
    tpu.vector_store %arg4[%swap3A_76, %swap3A_77], %broadcast_in_dim3A_75 {strides = array<i32>} : memref<64x16xi32, #tpu.memory_space<vmem>>, vector<64x1xi32>,
    %eq3A_79 = vector.broadcast %broadcast_in_dim3A_75 : vector<64x1xi32> to vector<64x160xi32>
    %eq3A_80 = arith.cmpi eq, %get3A_10, %eq3A_79 : vector<64x160xi32>
    %jit3A_81 = arith.constant -3.000000e+38 : f32
    %broadcast_in_dim3A_82 = vector.broadcast %jit3A_81 : f32 to vector<64x160xf32>
    %select_n3A_83 = arith.select %eq3A_80, %broadcast_in_dim3A_82, %select_n3A_64 : vector<64x160xi1>, vector<64x160xf32>
    %reduce_max3A_84 = arith.constant dense<0xFF800000> : vector<64xf32>
    %reduce_max3A_85 = vector.multi_reduction <maximumf>, %select_n3A_83, %reduce_max3A_84 [1] : vector<64x160xf32> to vector<64xf32>
    %broadcast_in_dim3A_86 = vector.shape_cast %reduce_max3A_85 : vector<64xf32> to vector<64x1xf32>
    %eq3A_87 = vector.broadcast %broadcast_in_dim3A_86 : vector<64x1xf32> to vector<64x160xf32>
    %eq3A_88 = arith.cmpf oeq, %select_n3A_83, %eq3A_87 : vector<64x160xf32>
    %jit3A_89 = arith.constant 1073741824 : i32
    %broadcast_in_dim3A_90 = vector.broadcast %jit3A_89 : i32 to vector<64x160xi32>
    %select_n3A_91 = arith.select %eq3A_88, %get3A_10, %broadcast_in_dim3A_90 : vector<64x160xi1>, vector<64x160xi32>
    %reduce_min3A_92 = arith.constant dense<2147483647> : vector<64xi32>
    %reduce_min3A_93 = vector.multi_reduction <minsi>, %select_n3A_91, %reduce_min3A_92 [1] : vector<64x160xi32> to vector<64xi32>
    %broadcast_in_dim3A_94 = vector.shape_cast %reduce_min3A_93 : vector<64xi32> to vector<64x1xi32>
    %swap3A_95 = arith.constant 0 : index
    %swap3A_96 = arith.constant 4 : index
    %swap3A_97 = vector.load %arg4[%swap3A_95, %swap3A_96] : memref<64x16xi32, #tpu.memory_space<vmem>>, vector<64x1xi32>
    tpu.vector_store %arg4[%swap3A_95, %swap3A_96], %broadcast_in_dim3A_94 {strides = array<i32>} : memref<64x16xi32, #tpu.memory_space<vmem>>, vector<64x1xi32>,
    %eq3A_98 = vector.broadcast %broadcast_in_dim3A_94 : vector<64x1xi32> to vector<64x160xi32>
    %eq3A_99 = arith.cmpi eq, %get3A_10, %eq3A_98 : vector<64x160xi32>
    %jit3A_100 = arith.constant -3.000000e+38 : f32
    %broadcast_in_dim3A_101 = vector.broadcast %jit3A_100 : f32 to vector<64x160xf32>
    %select_n3A_102 = arith.select %eq3A_99, %broadcast_in_dim3A_101, %select_n3A_83 : vector<64x160xi1>, vector<64x160xf32>
    %reduce_max3A_103 = arith.constant dense<0xFF800000> : vector<64xf32>
    %reduce_max3A_104 = vector.multi_reduction <maximumf>, %select_n3A_102, %reduce_max3A_103 [1] : vector<64x160xf32> to vector<64xf32>
    %broadcast_in_dim3A_105 = vector.shape_cast %reduce_max3A_104 : vector<64xf32> to vector<64x1xf32>
    %eq3A_106 = vector.broadcast %broadcast_in_dim3A_105 : vector<64x1xf32> to vector<64x160xf32>
    %eq3A_107 = arith.cmpf oeq, %select_n3A_102, %eq3A_106 : vector<64x160xf32>
    %jit3A_108 = arith.constant 1073741824 : i32
    %broadcast_in_dim3A_109 = vector.broadcast %jit3A_108 : i32 to vector<64x160xi32>
    %select_n3A_110 = arith.select %eq3A_107, %get3A_10, %broadcast_in_dim3A_109 : vector<64x160xi1>, vector<64x160xi32>
    %reduce_min3A_111 = arith.constant dense<2147483647> : vector<64xi32>
    %reduce_min3A_112 = vector.multi_reduction <minsi>, %select_n3A_110, %reduce_min3A_111 [1] : vector<64x160xi32> to vector<64xi32>
    %broadcast_in_dim3A_113 = vector.shape_cast %reduce_min3A_112 : vector<64xi32> to vector<64x1xi32>
    %swap3A_114 = arith.constant 0 : index
    %swap3A_115 = arith.constant 5 : index
    %swap3A_116 = vector.load %arg4[%swap3A_114, %swap3A_115] : memref<64x16xi32, #tpu.memory_space<vmem>>, vector<64x1xi32>
    tpu.vector_store %arg4[%swap3A_114, %swap3A_115], %broadcast_in_dim3A_113 {strides = array<i32>} : memref<64x16xi32, #tpu.memory_space<vmem>>, vector<64x1xi32>,
    %eq3A_117 = vector.broadcast %broadcast_in_dim3A_113 : vector<64x1xi32> to vector<64x160xi32>
    %eq3A_118 = arith.cmpi eq, %get3A_10, %eq3A_117 : vector<64x160xi32>
    %jit3A_119 = arith.constant -3.000000e+38 : f32
    %broadcast_in_dim3A_120 = vector.broadcast %jit3A_119 : f32 to vector<64x160xf32>
    %select_n3A_121 = arith.select %eq3A_118, %broadcast_in_dim3A_120, %select_n3A_102 : vector<64x160xi1>, vector<64x160xf32>
    %reduce_max3A_122 = arith.constant dense<0xFF800000> : vector<64xf32>
    %reduce_max3A_123 = vector.multi_reduction <maximumf>, %select_n3A_121, %reduce_max3A_122 [1] : vector<64x160xf32> to vector<64xf32>
    %broadcast_in_dim3A_124 = vector.shape_cast %reduce_max3A_123 : vector<64xf32> to vector<64x1xf32>
    %eq3A_125 = vector.broadcast %broadcast_in_dim3A_124 : vector<64x1xf32> to vector<64x160xf32>
    %eq3A_126 = arith.cmpf oeq, %select_n3A_121, %eq3A_125 : vector<64x160xf32>
    %jit3A_127 = arith.constant 1073741824 : i32
    %broadcast_in_dim3A_128 = vector.broadcast %jit3A_127 : i32 to vector<64x160xi32>
    %select_n3A_129 = arith.select %eq3A_126, %get3A_10, %broadcast_in_dim3A_128 : vector<64x160xi1>, vector<64x160xi32>
    %reduce_min3A_130 = arith.constant dense<2147483647> : vector<64xi32>
    %reduce_min3A_131 = vector.multi_reduction <minsi>, %select_n3A_129, %reduce_min3A_130 [1] : vector<64x160xi32> to vector<64xi32>
    %broadcast_in_dim3A_132 = vector.shape_cast %reduce_min3A_131 : vector<64xi32> to vector<64x1xi32>
    %swap3A_133 = arith.constant 0 : index
    %swap3A_134 = arith.constant 6 : index
    %swap3A_135 = vector.load %arg4[%swap3A_133, %swap3A_134] : memref<64x16xi32, #tpu.memory_space<vmem>>, vector<64x1xi32>
    tpu.vector_store %arg4[%swap3A_133, %swap3A_134], %broadcast_in_dim3A_132 {strides = array<i32>} : memref<64x16xi32, #tpu.memory_space<vmem>>, vector<64x1xi32>,
    %eq3A_136 = vector.broadcast %broadcast_in_dim3A_132 : vector<64x1xi32> to vector<64x160xi32>
    %eq3A_137 = arith.cmpi eq, %get3A_10, %eq3A_136 : vector<64x160xi32>
    %jit3A_138 = arith.constant -3.000000e+38 : f32
    %broadcast_in_dim3A_139 = vector.broadcast %jit3A_138 : f32 to vector<64x160xf32>
    %select_n3A_140 = arith.select %eq3A_137, %broadcast_in_dim3A_139, %select_n3A_121 : vector<64x160xi1>, vector<64x160xf32>
    %reduce_max3A_141 = arith.constant dense<0xFF800000> : vector<64xf32>
    %reduce_max3A_142 = vector.multi_reduction <maximumf>, %select_n3A_140, %reduce_max3A_141 [1] : vector<64x160xf32> to vector<64xf32>
    %broadcast_in_dim3A_143 = vector.shape_cast %reduce_max3A_142 : vector<64xf32> to vector<64x1xf32>
    %eq3A_144 = vector.broadcast %broadcast_in_dim3A_143 : vector<64x1xf32> to vector<64x160xf32>
    %eq3A_145 = arith.cmpf oeq, %select_n3A_140, %eq3A_144 : vector<64x160xf32>
    %jit3A_146 = arith.constant 1073741824 : i32
    %broadcast_in_dim3A_147 = vector.broadcast %jit3A_146 : i32 to vector<64x160xi32>
    %select_n3A_148 = arith.select %eq3A_145, %get3A_10, %broadcast_in_dim3A_147 : vector<64x160xi1>, vector<64x160xi32>
    %reduce_min3A_149 = arith.constant dense<2147483647> : vector<64xi32>
    %reduce_min3A_150 = vector.multi_reduction <minsi>, %select_n3A_148, %reduce_min3A_149 [1] : vector<64x160xi32> to vector<64xi32>
    %broadcast_in_dim3A_151 = vector.shape_cast %reduce_min3A_150 : vector<64xi32> to vector<64x1xi32>
    %swap3A_152 = arith.constant 0 : index
    %swap3A_153 = arith.constant 7 : index
    %swap3A_154 = vector.load %arg4[%swap3A_152, %swap3A_153] : memref<64x16xi32, #tpu.memory_space<vmem>>, vector<64x1xi32>
    tpu.vector_store %arg4[%swap3A_152, %swap3A_153], %broadcast_in_dim3A_151 {strides = array<i32>} : memref<64x16xi32, #tpu.memory_space<vmem>>, vector<64x1xi32>,
    %eq3A_155 = vector.broadcast %broadcast_in_dim3A_151 : vector<64x1xi32> to vector<64x160xi32>
    %eq3A_156 = arith.cmpi eq, %get3A_10, %eq3A_155 : vector<64x160xi32>
    %jit3A_157 = arith.constant -3.000000e+38 : f32
    %broadcast_in_dim3A_158 = vector.broadcast %jit3A_157 : f32 to vector<64x160xf32>
    %select_n3A_159 = arith.select %eq3A_156, %broadcast_in_dim3A_158, %select_n3A_140 : vector<64x160xi1>, vector<64x160xf32>
    %reduce_max3A_160 = arith.constant dense<0xFF800000> : vector<64xf32>
    %reduce_max3A_161 = vector.multi_reduction <maximumf>, %select_n3A_159, %reduce_max3A_160 [1] : vector<64x160xf32> to vector<64xf32>
    %broadcast_in_dim3A_162 = vector.shape_cast %reduce_max3A_161 : vector<64xf32> to vector<64x1xf32>
    %eq3A_163 = vector.broadcast %broadcast_in_dim3A_162 : vector<64x1xf32> to vector<64x160xf32>
    %eq3A_164 = arith.cmpf oeq, %select_n3A_159, %eq3A_163 : vector<64x160xf32>
    %jit3A_165 = arith.constant 1073741824 : i32
    %broadcast_in_dim3A_166 = vector.broadcast %jit3A_165 : i32 to vector<64x160xi32>
    %select_n3A_167 = arith.select %eq3A_164, %get3A_10, %broadcast_in_dim3A_166 : vector<64x160xi1>, vector<64x160xi32>
    %reduce_min3A_168 = arith.constant dense<2147483647> : vector<64xi32>
    %reduce_min3A_169 = vector.multi_reduction <minsi>, %select_n3A_167, %reduce_min3A_168 [1] : vector<64x160xi32> to vector<64xi32>
    %broadcast_in_dim3A_170 = vector.shape_cast %reduce_min3A_169 : vector<64xi32> to vector<64x1xi32>
    %swap3A_171 = arith.constant 0 : index
    %swap3A_172 = arith.constant 8 : index
    %swap3A_173 = vector.load %arg4[%swap3A_171, %swap3A_172] : memref<64x16xi32, #tpu.memory_space<vmem>>, vector<64x1xi32>
    tpu.vector_store %arg4[%swap3A_171, %swap3A_172], %broadcast_in_dim3A_170 {strides = array<i32>} : memref<64x16xi32, #tpu.memory_space<vmem>>, vector<64x1xi32>,
    %eq3A_174 = vector.broadcast %broadcast_in_dim3A_170 : vector<64x1xi32> to vector<64x160xi32>
    %eq3A_175 = arith.cmpi eq, %get3A_10, %eq3A_174 : vector<64x160xi32>
    %jit3A_176 = arith.constant -3.000000e+38 : f32
    %broadcast_in_dim3A_177 = vector.broadcast %jit3A_176 : f32 to vector<64x160xf32>
    %select_n3A_178 = arith.select %eq3A_175, %broadcast_in_dim3A_177, %select_n3A_159 : vector<64x160xi1>, vector<64x160xf32>
    %reduce_max3A_179 = arith.constant dense<0xFF800000> : vector<64xf32>
    %reduce_max3A_180 = vector.multi_reduction <maximumf>, %select_n3A_178, %reduce_max3A_179 [1] : vector<64x160xf32> to vector<64xf32>
    %broadcast_in_dim3A_181 = vector.shape_cast %reduce_max3A_180 : vector<64xf32> to vector<64x1xf32>
    %eq3A_182 = vector.broadcast %broadcast_in_dim3A_181 : vector<64x1xf32> to vector<64x160xf32>
    %eq3A_183 = arith.cmpf oeq, %select_n3A_178, %eq3A_182 : vector<64x160xf32>
    %jit3A_184 = arith.constant 1073741824 : i32
    %broadcast_in_dim3A_185 = vector.broadcast %jit3A_184 : i32 to vector<64x160xi32>
    %select_n3A_186 = arith.select %eq3A_183, %get3A_10, %broadcast_in_dim3A_185 : vector<64x160xi1>, vector<64x160xi32>
    %reduce_min3A_187 = arith.constant dense<2147483647> : vector<64xi32>
    %reduce_min3A_188 = vector.multi_reduction <minsi>, %select_n3A_186, %reduce_min3A_187 [1] : vector<64x160xi32> to vector<64xi32>
    %broadcast_in_dim3A_189 = vector.shape_cast %reduce_min3A_188 : vector<64xi32> to vector<64x1xi32>
    %swap3A_190 = arith.constant 0 : index
    %swap3A_191 = arith.constant 9 : index
    %swap3A_192 = vector.load %arg4[%swap3A_190, %swap3A_191] : memref<64x16xi32, #tpu.memory_space<vmem>>, vector<64x1xi32>
    tpu.vector_store %arg4[%swap3A_190, %swap3A_191], %broadcast_in_dim3A_189 {strides = array<i32>} : memref<64x16xi32, #tpu.memory_space<vmem>>, vector<64x1xi32>,
    %broadcast_in_dim3A_193 = arith.constant 0 : i32
    %broadcast_in_dim3A_194 = vector.broadcast %broadcast_in_dim3A_193 : i32 to vector<64x6xi32>
    %swap3A_195 = arith.constant 0 : index
    %swap3A_196 = arith.constant 10 : index
    %swap3A_197 = vector.load %arg4[%swap3A_195, %swap3A_196] : memref<64x16xi32, #tpu.memory_space<vmem>>, vector<64x6xi32>
    tpu.vector_store %arg4[%swap3A_195, %swap3A_196], %broadcast_in_dim3A_194 {strides = array<i32>} : memref<64x16xi32, #tpu.memory_space<vmem>>, vector<64x6xi32>,
    return
  }
  func.func @transform_0(%arg0: i32) -> (i32, i32) {
    %c0_i32 = arith.constant 0 : i32
    %c0_i32_0 = arith.constant 0 : i32
    return %arg0, %c0_i32 : i32, i32
  }
  func.func @transform_1(%arg0: i32) -> (i32, i32) {
    %c0_i32 = arith.constant 0 : i32
    %c0_i32_0 = arith.constant 0 : i32
    return %arg0, %c0_i32 : i32, i32
  }
  func.func @transform_2(%arg0: i32) -> (i32, i32) {
    %c0_i32 = arith.constant 0 : i32
    %c0_i32_0 = arith.constant 0 : i32
    return %arg0, %c0_i32 : i32, i32
  }
  func.func @transform_3(%arg0: i32) -> (i32, i32) {
    %c0_i32 = arith.constant 0 : i32
    %c0_i32_0 = arith.constant 0 : i32
    return %arg0, %c0_i32 : i32, i32
  }
}

module attributes {stable_mosaic.version = 14 : i64} {
  func.func @_fuse_body(%arg0: i32, %arg1: memref<256x10x64xf32, #tpu.memory_space<vmem>>, %arg2: memref<256x64xf32, #tpu.memory_space<vmem>>, %arg3: memref<128x64xf32, #tpu.memory_space<vmem>>, %arg4: memref<1x64xf32, #tpu.memory_space<vmem>>, %arg5: memref<256x64xf32, #tpu.memory_space<vmem>>) attributes {dimension_semantics = [#tpu.dimension_semantics<arbitrary>], iteration_bounds = array<i64: 4>, scalar_prefetch = 0 : i64, scratch_operands = 0 : i64, tpu.core_type = #tpu.core_type<tc>, window_params = [{transform_indices = @transform_0, window_bounds = array<i64: 256, 10, 64>}, {transform_indices = @transform_1, window_bounds = array<i64: 256, 64>}, {pipeline_mode = #tpu.pipeline_mode<synchronous>, transform_indices = @transform_2, window_bounds = array<i64: 128, 64>}, {pipeline_mode = #tpu.pipeline_mode<synchronous>, transform_indices = @transform_3, window_bounds = array<i64: 1, 64>}, {transform_indices = @transform_4, window_bounds = array<i64: 256, 64>}]} {
    %get3A = arith.constant 0 : index
    %get3A_0 = arith.constant 0 : index
    %get3A_1 = arith.constant 0 : index
    %get3A_2 = vector.load %arg1[%get3A, %get3A_0, %get3A_1] : memref<256x10x64xf32, #tpu.memory_space<vmem>>, vector<256x10x64xf32>
    %reduce_sum3A = arith.constant dense<0.000000e+00> : vector<256x64xf32>
    %reduce_sum3A_3 = vector.multi_reduction <add>, %get3A_2, %reduce_sum3A [1] : vector<256x10x64xf32> to vector<256x64xf32>
    %div3A = arith.constant 1.000000e+01 : f32
    %div3A_4 = vector.broadcast %div3A : f32 to vector<256x64xf32>
    %div3A_5 = arith.divf %reduce_sum3A_3, %div3A_4 : vector<256x64xf32>
    %get3A_6 = arith.constant 0 : index
    %get3A_7 = arith.constant 0 : index
    %get3A_8 = vector.load %arg2[%get3A_6, %get3A_7] : memref<256x64xf32, #tpu.memory_space<vmem>>, vector<256x64xf32>
    %get3A_9 = arith.constant 0 : index
    %get3A_10 = arith.constant 0 : index
    %get3A_11 = vector.load %arg3[%get3A_9, %get3A_10] : memref<128x64xf32, #tpu.memory_space<vmem>>, vector<128x64xf32>
    %slice3A = vector.extract_strided_slice %get3A_11 {offsets = [0, 0], sizes = [64, 64], strides = [1, 1]} : vector<128x64xf32> to vector<64x64xf32>
    %dot_general3A = arith.constant dense<0.000000e+00> : vector<256x64xf32>
    %dot_general3A_12 = tpu.matmul %get3A_8, %slice3A, %dot_general3A {dimension_numbers = #tpu.dot_dimension_numbers<[1], [0], [0], [1], [0, 0, 1, 1], [], []>, transpose_lhs_hint = false} : vector<256x64xf32>, vector<64x64xf32>, vector<256x64xf32> -> vector<256x64xf32>
    %slice3A_13 = vector.extract_strided_slice %get3A_11 {offsets = [64, 0], sizes = [64, 64], strides = [1, 1]} : vector<128x64xf32> to vector<64x64xf32>
    %dot_general3A_14 = arith.constant dense<0.000000e+00> : vector<256x64xf32>
    %dot_general3A_15 = tpu.matmul %div3A_5, %slice3A_13, %dot_general3A_14 {dimension_numbers = #tpu.dot_dimension_numbers<[1], [0], [0], [1], [0, 0, 1, 1], [], []>, transpose_lhs_hint = false} : vector<256x64xf32>, vector<64x64xf32>, vector<256x64xf32> -> vector<256x64xf32>
    %add3A = arith.addf %dot_general3A_12, %dot_general3A_15 : vector<256x64xf32>
    %get3A_16 = arith.constant 0 : index
    %get3A_17 = arith.constant 0 : index
    %get3A_18 = vector.load %arg4[%get3A_16, %get3A_17] : memref<1x64xf32, #tpu.memory_space<vmem>>, vector<1x64xf32>
    %add3A_19 = vector.broadcast %get3A_18 : vector<1x64xf32> to vector<256x64xf32>
    %add3A_20 = arith.addf %add3A, %add3A_19 : vector<256x64xf32>
    %logistic3A = arith.negf %add3A_20 : vector<256x64xf32>
    %logistic3A_21 = math.exp %logistic3A : vector<256x64xf32>
    %logistic3A_22 = arith.constant 1.000000e+00 : f32
    %logistic3A_23 = vector.broadcast %logistic3A_22 : f32 to vector<256x64xf32>
    %logistic3A_24 = arith.addf %logistic3A_23, %logistic3A_21 : vector<256x64xf32>
    %logistic3A_25 = arith.divf %logistic3A_23, %logistic3A_24 : vector<256x64xf32>
    %mul3A = arith.mulf %logistic3A_25, %get3A_8 : vector<256x64xf32>
    %sub3A = arith.constant 1.000000e+00 : f32
    %sub3A_26 = vector.broadcast %sub3A : f32 to vector<256x64xf32>
    %sub3A_27 = arith.subf %sub3A_26, %logistic3A_25 : vector<256x64xf32>
    %mul3A_28 = arith.mulf %sub3A_27, %div3A_5 : vector<256x64xf32>
    %add3A_29 = arith.addf %mul3A, %mul3A_28 : vector<256x64xf32>
    %swap3A = arith.constant 0 : index
    %swap3A_30 = arith.constant 0 : index
    %swap3A_31 = vector.load %arg5[%swap3A, %swap3A_30] : memref<256x64xf32, #tpu.memory_space<vmem>>, vector<256x64xf32>
    tpu.vector_store %arg5[%swap3A, %swap3A_30], %add3A_29 {strides = array<i32>} : memref<256x64xf32, #tpu.memory_space<vmem>>, vector<256x64xf32>,
    return
  }
  func.func @transform_0(%arg0: i32) -> (i32, i32, i32) {
    %c0_i32 = arith.constant 0 : i32
    %c0_i32_0 = arith.constant 0 : i32
    %c0_i32_1 = arith.constant 0 : i32
    return %arg0, %c0_i32, %c0_i32_0 : i32, i32, i32
  }
  func.func @transform_1(%arg0: i32) -> (i32, i32) {
    %c0_i32 = arith.constant 0 : i32
    %c0_i32_0 = arith.constant 0 : i32
    return %arg0, %c0_i32 : i32, i32
  }
  func.func @transform_2(%arg0: i32) -> (i32, i32) {
    %c0_i32 = arith.constant 0 : i32
    %c0_i32_0 = arith.constant 0 : i32
    %c0_i32_1 = arith.constant 0 : i32
    return %c0_i32, %c0_i32_0 : i32, i32
  }
  func.func @transform_3(%arg0: i32) -> (i32, i32) {
    %c0_i32 = arith.constant 0 : i32
    %c0_i32_0 = arith.constant 0 : i32
    %c0_i32_1 = arith.constant 0 : i32
    return %c0_i32, %c0_i32_0 : i32, i32
  }
  func.func @transform_4(%arg0: i32) -> (i32, i32) {
    %c0_i32 = arith.constant 0 : i32
    %c0_i32_0 = arith.constant 0 : i32
    return %arg0, %c0_i32 : i32, i32
  }
}

module attributes {stable_mosaic.version = 14 : i64} {
  func.func @_logits_body(%arg0: i32, %arg1: memref<1024x64xf32, #tpu.memory_space<vmem>>, %arg2: memref<64x2048xf32, #tpu.memory_space<vmem>>, %arg3: memref<1x2048xf32, #tpu.memory_space<vmem>>, %arg4: memref<1024x2048xf32, #tpu.memory_space<vmem>>) attributes {dimension_semantics = [#tpu.dimension_semantics<arbitrary>], iteration_bounds = array<i64: 49>, scalar_prefetch = 0 : i64, scratch_operands = 0 : i64, tpu.core_type = #tpu.core_type<tc>, window_params = [{pipeline_mode = #tpu.pipeline_mode<synchronous>, transform_indices = @transform_0, window_bounds = array<i64: 1024, 64>}, {transform_indices = @transform_1, window_bounds = array<i64: 64, 2048>}, {transform_indices = @transform_2, window_bounds = array<i64: 1, 2048>}, {transform_indices = @transform_3, window_bounds = array<i64: 1024, 2048>}]} {
    %get3A = arith.constant 0 : index
    %get3A_0 = arith.constant 0 : index
    %get3A_1 = vector.load %arg1[%get3A, %get3A_0] : memref<1024x64xf32, #tpu.memory_space<vmem>>, vector<1024x64xf32>
    %get3A_2 = arith.constant 0 : index
    %get3A_3 = arith.constant 0 : index
    %get3A_4 = vector.load %arg2[%get3A_2, %get3A_3] : memref<64x2048xf32, #tpu.memory_space<vmem>>, vector<64x2048xf32>
    %dot_general3A = arith.constant dense<0.000000e+00> : vector<1024x2048xf32>
    %dot_general3A_5 = tpu.matmul %get3A_1, %get3A_4, %dot_general3A {dimension_numbers = #tpu.dot_dimension_numbers<[1], [0], [0], [1], [0, 0, 1, 1], [], []>, transpose_lhs_hint = false} : vector<1024x64xf32>, vector<64x2048xf32>, vector<1024x2048xf32> -> vector<1024x2048xf32>
    %get3A_6 = arith.constant 0 : index
    %get3A_7 = arith.constant 0 : index
    %get3A_8 = vector.load %arg3[%get3A_6, %get3A_7] : memref<1x2048xf32, #tpu.memory_space<vmem>>, vector<1x2048xf32>
    %add3A = vector.broadcast %get3A_8 : vector<1x2048xf32> to vector<1024x2048xf32>
    %add3A_9 = arith.addf %dot_general3A_5, %add3A : vector<1024x2048xf32>
    %swap3A = arith.constant 0 : index
    %swap3A_10 = arith.constant 0 : index
    %swap3A_11 = vector.load %arg4[%swap3A, %swap3A_10] : memref<1024x2048xf32, #tpu.memory_space<vmem>>, vector<1024x2048xf32>
    tpu.vector_store %arg4[%swap3A, %swap3A_10], %add3A_9 {strides = array<i32>} : memref<1024x2048xf32, #tpu.memory_space<vmem>>, vector<1024x2048xf32>,
    return
  }
  func.func @transform_0(%arg0: i32) -> (i32, i32) {
    %c0_i32 = arith.constant 0 : i32
    %c0_i32_0 = arith.constant 0 : i32
    %c0_i32_1 = arith.constant 0 : i32
    return %c0_i32, %c0_i32_0 : i32, i32
  }
  func.func @transform_1(%arg0: i32) -> (i32, i32) {
    %c0_i32 = arith.constant 0 : i32
    %c0_i32_0 = arith.constant 0 : i32
    return %c0_i32, %arg0 : i32, i32
  }
  func.func @transform_2(%arg0: i32) -> (i32, i32) {
    %c0_i32 = arith.constant 0 : i32
    %c0_i32_0 = arith.constant 0 : i32
    return %c0_i32, %arg0 : i32, i32
  }
  func.func @transform_3(%arg0: i32) -> (i32, i32) {
    %c0_i32 = arith.constant 0 : i32
    %c0_i32_0 = arith.constant 0 : i32
    return %c0_i32, %arg0 : i32, i32
  }
}

</mosaic_0001>

<sc_bundles>
// kernel: gather_offload_async_start.1
scs
__scs_entry_jumppad:
0x0: {  	(pc) =	sbr.rel $0x88, $3  }
0x1: {  	(tag) =	ssettag $0x0;
	lr =	simm.s32 $0x1  }
0x2: {  	[smem:$0x3F99] =	sst lr;
	_ =	strace $0xD0000000  }
0x3: {  	_ = 	snop  }
0x4: {  	_ = 	snop  }
0x5: {  	_ = 	snop  }
0x6: {  	_ = 	snop  }
0x7: {  	_ = 	snop  }
__scs_overlays_trampoline_lowered:
0x8: {  	[smem:$0x3FA8] =	sst s0  }
0x9: {  	[smem:$0x3FA9] =	sst s1  }
0xa: {  	[smem:$0x3FAA] =	sst s2  }
0xb: {  	[smem:$0x3FAB] =	sst s3  }
0xc: {  	[smem:$0x3FAC] =	sst s4  }
0xd: {  	[smem:$0x3FAD] =	sst s5  }
0xe: {  	[smem:$0x3FAE] =	sst s6  }
0xf: {  	[smem:$0x3FAF] =	sst s7  }
0x10: {  	[smem:$0x3FB0] =	sst s8  }
0x11: {  	[smem:$0x3FB1] =	sst s9;
	s0 =	simm.s32 @!p0 $0x0  }
0x12: {  	s1 =	sld [smem:$0x3F97];
	s0 =	simm.s32 @p0 $0x1  }
0x13: {  	[smem:$0x3FB2] =	sst s0;
	s0 =	simm.s32 @!p1 $0x0  }
0x14: {  	s2 =	sld [smem:$0x3F96];
	s0 =	simm.s32 @p1 $0x1  }
0x15: {  	[smem:$0x3FB3] =	sst s0;
	s0 =	simm.s32 @!p2 $0x0  }
0x16: {  	s3 =	sld [smem:$0x3FDB];
	s0 =	simm.s32 @p2 $0x1  }
0x17: {  	s4 =	simm.s32 $0x1BF5;
	[smem:$0x3FB5] =	sst s0  }
0x18: {  	s0 =	sld [smem:$0x3F98];
	_ =	swait.ge [sflag:s4], $0x0  }
0x19: {  	s7 =	sld [smem:$0x3F99]  }
0x1a: {  	s8 =	sadd.s32 $0xFFFFE003, lr  }
0x1b: {  	s9 =	sadd.s32 $0xFFFFFEF7, lr;
	s5 =	simm.s32 $0xFFFFFFFF;
	p2 =	slt.u32 s8, $0xFFFFF086  }
0x1c: {  	p1 =	slt.u32 s9, $0xF7A;
	s5 =	simm.s32 @!p2 $0x0  }
0x1d: {  	s5 =	simm.s32 @p1 $0x1;
	p0 =	seq.s32 s7, s2  }
0x1e: {  	s7 =	smul.u32 @!p0 $0xF7A, s2;
	p2 =	seq.s32 @!p0 s5, $0x0  }
0x1f: {  	s9 =	smul.u32 $0xF7A, s1;
	s8 =	simm.s32 @!p0 $0x1BF5;
	p2 =	por !p2, p0  }
0x20: {  	[sflag:s8] =	ssyncset.s32 @!p0 $0xFFFFF086;
	s6 =	sadd.s32 @!p0 s3, s7;
	s7 =	simm.s32 @!p0 $0x108  }
0x21: {  	s3 =	sadd.s32 s3, s9;
	s6 =	sadd.s32 @!p0 $0x88, s6;
	s7 =	simm.s32 @p2 $0x1082  }
0x22: {  	[simem:s7], [sflag:s8] =	dma.local @!p0 [hbm:s6], $0xF7A  }
0x23: {  	s9 =	sor.u32 $0xD0000000, s2;
	s6 =	simm.s32 $0x108;
	_ =	swait.ge @!p0 [sflag:s8], $0x0  }
0x24: {  	s3 =	sadd.s32 $0x88, s3;
	s6 =	simm.s32 @!p1 $0x1082;
	[sflag:s4] =	ssyncset.s32 $0xFFFFF086  }
0x25: {  	[simem:s6], [sflag:s4] =	dma.local [hbm:s3], $0xF7A  }
0x26: {  	[smem:$0x3F99] =	sst s1;
	(tag) =	ssettag s2;
	_ =	strace s9  }
0x27: {  	s1 =	sld [smem:$0x3FA9]  }
0x28: {  	s2 =	sld [smem:$0x3FAA]  }
0x29: {  	s4 =	sld [smem:$0x3FAC]  }
0x2a: {  	p0 =	seq.s32 s5, $0x0;
	s5 =	sld [smem:$0x3FAD]  }
0x2b: {  	s6 =	sld [smem:$0x3FAE]  }
0x2c: {  	s7 =	sld [smem:$0x3FAF]  }
0x2d: {  	s3 =	simm.s32 $0x108;
	s8 =	sld [smem:$0x3FB0]  }
0x2e: {  	s3 =	simm.s32 @!p0 $0x1082;
	s9 =	sld [smem:$0x3FB1]  }
0x2f: {  	lr =	sadd.s32 s0, s3;
	s0 =	sld [smem:$0x3FA8]  }
0x30: {  	s3 =	sld [smem:$0x3FAB]  }
0x31: {  	[smem:$0x3FB4] =	sst s10  }
0x32: {  	s10 =	sld [smem:$0x3FB2];
	_ =	sdelay $0x3  }
0x33: {  	p0 =	seq.s32 s10, $0x1;
	s10 =	sld [smem:$0x3FB4];
	_ =	sdelay $0x3  }
0x34: {  	[smem:$0x3FB4] =	sst s10  }
0x35: {  	s10 =	sld [smem:$0x3FB3];
	_ =	sdelay $0x3  }
0x36: {  	p1 =	seq.s32 s10, $0x1;
	s10 =	sld [smem:$0x3FB4];
	_ =	sdelay $0x3  }
0x37: {  	[smem:$0x3FB4] =	sst s10  }
0x38: {  	s10 =	sld [smem:$0x3FB5]  }
0x39: {  	_ = 	snop;
	(pc) =	sbr.ind lr, $3  }
0x3a: {  	_ = 	snop  }
0x3b: {  	_ = 	snop  }
0x3c: {  	p2 =	seq.s32 s10, $0x1;
	s10 =	sld [smem:$0x3FB4]  }
0x3d: {  	_ =	shalt  }
0x3e: {  	_ =	shalt  }
0x3f: {  	_ =	shalt  }
0x40: {  	_ =	shalt  }
0x41: {  	_ =	shalt  }
0x42: {  	_ =	shalt  }
0x43: {  	_ =	shalt  }
0x44: {  	_ =	shalt  }
0x45: {  	_ =	shalt  }
0x46: {  	_ =	shalt  }
0x47: {  	_ =	shalt  }
0x48: {  	_ =	shalt  }
0x49: {  	_ =	shalt  }
0x4a: {  	_ =	shalt  }
0x4b: {  	_ =	shalt  }
0x4c: {  	_ =	shalt  }
0x4d: {  	_ =	shalt  }
0x4e: {  	_ =	shalt  }
0x4f: {  	_ =	shalt  }
0x50: {  	_ =	shalt  }
0x51: {  	_ =	shalt  }
0x52: {  	_ =	shalt  }
0x53: {  	_ =	shalt  }
0x54: {  	_ =	shalt  }
0x55: {  	_ =	shalt  }
0x56: {  	_ =	shalt  }
0x57: {  	_ =	shalt  }
0x58: {  	_ =	shalt  }
0x59: {  	_ =	shalt  }
0x5a: {  	_ =	shalt  }
0x5b: {  	_ =	shalt  }
0x5c: {  	_ =	shalt  }
0x5d: {  	_ =	shalt  }
0x5e: {  	_ =	shalt  }
0x5f: {  	_ =	shalt  }
0x60: {  	_ =	shalt  }
0x61: {  	_ =	shalt  }
0x62: {  	_ =	shalt  }
0x63: {  	_ =	shalt  }
0x64: {  	_ =	shalt  }
0x65: {  	_ =	shalt  }
0x66: {  	_ =	shalt  }
0x67: {  	_ =	shalt  }
0x68: {  	_ =	shalt  }
0x69: {  	_ =	shalt  }
0x6a: {  	_ =	shalt  }
0x6b: {  	_ =	shalt  }
0x6c: {  	_ =	shalt  }
0x6d: {  	_ =	shalt  }
0x6e: {  	_ =	shalt  }
0x6f: {  	_ =	shalt  }
0x70: {  	_ =	shalt  }
0x71: {  	_ =	shalt  }
0x72: {  	_ =	shalt  }
0x73: {  	_ =	shalt  }
0x74: {  	_ =	shalt  }
0x75: {  	_ =	shalt  }
0x76: {  	_ =	shalt  }
0x77: {  	_ =	shalt  }
0x78: {  	_ =	shalt  }
0x79: {  	_ =	shalt  }
0x7a: {  	_ =	shalt  }
0x7b: {  	_ =	shalt  }
0x7c: {  	_ =	shalt  }
0x7d: {  	_ =	shalt  }
0x7e: {  	_ =	shalt  }
0x7f: {  	_ =	shalt  }
0x80: {  	_ =	shalt  }
0x81: {  	_ =	shalt  }
0x82: {  	_ =	shalt  }
0x83: {  	_ =	shalt  }
0x84: {  	_ =	shalt  }
0x85: {  	_ =	shalt  }
0x86: {  	_ =	shalt  }
0x87: {  	_ =	shalt  }
.Lfunc_end0:
.L_simem_size_0:
called_computation.1_lowered:
.L_overlay_start_0:
0x88: {  	s2 =	sld [smem:$0x3FD9]  }
0x89: {  	s3 =	sld [smem:$0x3FFE];
	_ =	sdelay $0x1  }
0x8a: {  	s1 =	srdreg.scid  }
0x8b: {  	s0 =	sand.u32 $0x1, s1  }
0x8c: {  	s17 =	sshll.u32 s0, $0xA;
	s2 =	sadd.s32 s3, s2  }
0x8d: {  	s2 =	sadd.s32 s2, s17  }
0x8e: {  	[smem:$0x3FC0] =	sst s2  }
0x8f: {  	_ = 	snop  }
0x90: {  	s2 =	sld [smem:$0x3FD0];
	(tm) =	ssettm $0x1  }
0x91: {  	s18 =	sld [smem:$0x3FFB];
	_ =	sdelay $0x3  }
0x92: {  	_ =	strace s18  }
0x93: {  	s3 =	sld [smem:$0x3FFC];
	_ =	sdelay $0x3  }
0x94: {  	_ =	strace s3  }
0x95: {  	s3 =	sld [smem:$0x3FFD];
	_ =	sdelay $0x3  }
0x96: {  	_ =	strace s3  }
0x97: {  	_ =	strace $0x8FFFFFFF  }
0x98: {  	s19 =	sld [smem:$0x3FDB];
	_ =	sdelay $0x1  }
0x99: {  	s4 =	simm.s32 $_scs_section_size  }
0x9a: {  	s5 =	simm.s32 $_size__tile_overlayer_lowered;
	s6 =	simm.s32 $_tile_overlayer_lowered  }
0x9b: {  	s22 =	simm.s32 $0x1BFF;
	s21 =	sshll.u32 s6, $0x1;
	s3 =	sadd.s32 s4, s19  }
0x9c: {  	s7 =	simm.s32 $0x0;
	s20 =	sshll.u32 s5, $0x1;
	s5 =	sadd.s32 s21, s3  }
0x9d: {  	[timem:s7], [sflag:s22] =	dma.local [hbm:s5], s20  }
0x9e: {  	_ =	swait.ge [sflag:s22], s20  }
0x9f: {  	s4 =	ssub.s32 $0x0, s20;
	[sflag:s22] =	ssyncset.done $0x0  }
0xa0: {  	[sflag:s22] =	ssyncadd.s32 s4;
	_ =	sdelay $0x1  }
0xa1: {  	s23 =	simm.s32 $0x1B8B  }
0xa2: {  	_ =	swait.ge [sflag:s23], $0x1  }
0xa3: {  	[sflag:s23] =	ssyncset.done $0x0  }
0xa4: {  	s25 =	simm.s32 $0x1B8E;
	s24 =	sld [smem:$0x3FFE];
	[sflag:s23] =	ssyncadd.s32 $0xFFFFFFFF  }
0xa5: {  	s26 =	simm.s32 $execute0_lowered;
	[smem:$0x3FD2] =	sst s25  }
0xa6: {  	s5 =	sshll.u32 s26, $0x1;
	_ =	strace $0x80000049;
	[dreg:$0x1] =	wrdreg $0xFFFFFFFF  }
0xa7: {  	s28 =	simm.s32 $_size_execute0_lowered;
	s3 =	sadd.s32 s3, s5;
	[dreg:$0x0] =	wrdreg $0x0  }
0xa8: {  	s5 =	sshll.u32 s28, $0x1;
	[dreg:$0x2] =	wrdreg s3  }
0xa9: {  	[dreg:$0x3] =	wrdreg s5  }
0xaa: {  	[dreg:$0x4] =	wrdreg $0xC0  }
0xab: {  	_ =	task [dreg:s7], $0x5FFFF  }
0xac: {  	[dreg:$0x1] =	wrdreg $0xFFFFFFFF  }
0xad: {  	[dreg:$0x0] =	wrdreg $0x60  }
0xae: {  	[dreg:$0x2] =	wrdreg s24  }
0xaf: {  	[dreg:$0x3] =	wrdreg s2  }
0xb0: {  	[dreg:$0x4] =	wrdreg $0x9  }
0xb1: {  	_ =	task.clear_ibuf [dreg:s7], $0x5FFFF;
	_ =	strace $0x90000049  }
0xb2: {  	s29 =	simm.s32 $0x9;
	_ =	strace $0x8000004B  }
0xb3: {  	_ =	swait.ge [sflag:s29], $0x1  }
0xb4: {  	[sflag:s29] =	ssyncadd.s32 $0xFFFFFFFF  }
0xb5: {  	_ =	strace $0x9000004B  }
0xb6: {  	_ =	sfence  }
0xb7: {  	s30 =	sld [smem:$0x0];
	_ =	sdelay $0x2  }
0xb8: {  	s31 =	sshll.u32 s1, $0xD;
	s1 =	sshrl.u32 s1, $0x2  }
0xb9: {  	s3 =	sand.u32 $0x4000, s31;
	s1 =	sadd.s32 s1, s30  }
0xba: {  	s0 =	sor.u32 s3, s0;
	s1 =	sshll.u32 s1, $0x11  }
0xbb: {  	s0 =	sor.u32 s1, s0  }
0xbc: {  	s0 =	sadd.s32 $0x8F2B, s0  }
0xbd: {  	[sflag:s0] =	ssyncadd.remote.s32 $0x1  }
0xbe: {  	_ =	sfence.sel $0xFFFF  }
0xbf: {  	[dreg:$0x0] =	wrdreg $0xFFFFFFFF;
	(pc) =	sbr.abs _section_cstart, $3  }
0xc0: {  	[dreg:$0x1] =	wrdreg $0xFFFFFFFF  }
0xc1: {  	_ =	task.clear_ibuf [dreg:s7], $0x2FFFF;
	_ =	strace $0x9FFFFFFF  }
0xc2: {  	(tm) =	ssettm $0x7FFFFFFF  }
0xc3: {  	_ =	shalt  }
tec
execute0_lowered:
.L_overlay_start_1:
0x0: {  	(tag) =	ssettag $0x1  }
0x1: {  	s7 =	rddreg [dreg:$0x0]  }
0x2: {  	s0 =	srdreg.scid;
	s2 =	rddreg [dreg:$0x1]  }
0x3: {  	s1 =	stileid.u32;
	s5 =	simm.s32 $0x2;
	s9 =	simm.s32 $0x3  }
0x4: {  	s3 =	sshll.u32 s0, $0x4;
	s0 =	rddreg [dreg:$0x2];
	_ =	strace $0x8000004A  }
.Ltmp0:
0x5: {  	s4 =	sand.u32 $0x10, s3;
	s3 =	simm.s32 $0x1;
	(pc) =	sbr.rel .LBB2_1-.Ltmp0, $4  }
0x6: {  	s11 =	simm.s32 $0x0;
	s4 =	sor.u32 s1, s4;
	[sflag:s3] =	ssyncpa.u1 $0x0  }
0x7: {  	p0 =	por $0x0, $0x0;
	s4 =	smul.u32 $0x1400, s4;
	[sflag:s5] =	ssyncpa.u1 $0x0  }
0x8: {  	s6 =	sadd.s32 $0x4400, s7;
	s7 =	sadd.s32 $0x1D7000, s7;
	[sflag:s9] =	ssyncpa.u1 $0x0  }
0x9: {  	vm0 =	vmmov $0xff;
	vm1 =	vcmask $0x3F20;
	s9 =	simm.s32 $0x0;
	s8 =	sadd.s32 $0x1400, s4;
	s10 =	smov.u32 s4  }
.LBB2_6:
0xa: {  	[hbm:s15] =	stream.linear.scatter [tilespmem:s12], [sflag:$0x3], $0x400, $0x38;
	[tilespmem:$0x10200] =	vst v63  }
.LBB2_7:
0xb: {  	p1 =	slt.u32 s9, $0x2;
	s11 =	sadd.s32 $0x100, s10  }
0xc: {  	s13 =	smov.u32 s4;
	s9 =	sadd.s32 $0x1, s9;
	p2 =	slt.s32 s11, s8  }
0xd: {  	s13 =	smov.u32 @p2 s11;
	p2 =	sne.s32 s9, $0x16  }
.Ltmp1:
0xe: {  	_ = 	snop;
	(pc) =	sbr.rel @!p2 .LBB2_8-.Ltmp1, $4  }
0xf: {  	s12 =	simm.s32 @!p1 $0x3  }
0x10: {  	_ =	swait.ge @!p1 [sflag:s12], $0x8000  }
0x11: {  	p0 =	por !p0, !p0;
	[sflag:s12] =	ssyncset.done @!p1 $0x0  }
0x12: {  	s11 =	smov.u32 s10;
	s10 =	smov.u32 s13;
	[sflag:s12] =	ssyncadd.s32 @!p1 $0xFFFF8000  }
.LBB2_1:
0x13: {  	p1 =	sgt.u32 s9, $0x13  }
0x14: {  	s12 =	sxor.u32 @!p1 $0xFFFFFFFF, s9  }
0x15: {  	s31 =	sadd.s32 $0xFFFFFFFF, s9;
	s13 =	sshrl.u32 @!p1 s10, $0x3;
	s12 =	sshll.u32 @!p1 s12, $0x8  }
0x16: {  	s14 =	sand.u32 @!p1 $0x7, s10;
	s13 =	sadd.s32 @!p1 s7, s13;
	s12 =	sand.u32 @!p1 $0x100, s12  }
0x17: {  	[tilespmem:s12], [sflag:$0x2] =	stream.linear.gather @!p1 [hbm4b:s13+s14], $0x100, $0x38;
	[tilespmem:$0x10200] =	vst v63  }
0x18: {  	p1 =	sgt.u32 s31, $0x13  }
.Ltmp2:
0x19: {  	_ = 	snop;
	(pc) =	sbr.rel @p1 .LBB2_7-.Ltmp2, $1  }
0x1a: {  	_ =	sdelay $0x3  }
0x1b: {  	s12 =	simm.s32 $0x1  }
0x1c: {  	_ =	swait.ge [sflag:s5], $0x100;
	s12 =	simm.s32 @!p0 $0x0  }
0x1d: {  	[sflag:s5] =	ssyncset.done $0x0;
	s14 =	sshll.u32 s12, $0x8  }
0x1e: {  	[sflag:s5] =	ssyncadd.s32 $0xFFFFFF00;
	s13 =	sadd.s32 $0x0, s14  }
0x1f: {  	v0 =	vld.msk [tilespmem:s13+$0x0 ss:$0x1], $0xffff;
	_ =	sdelay $0x4  }
0x20: {  	vm2 =	vgt.s32 v0, $0x0  }
0x21: {  	v0 =	vnsel vm2, $0x0, v0  }
0x22: {  	v0 =	vmin.u32 v0, $0x1869F  }
0x23: {  	v0 =	vshll.u32 v0, $0x4;
	_ =	sdelay $0x2  }
0x24: {  	s12 =	sshll.u32 s12, $0xF  }
0x25: {  	s12 =	sor.u32 $0x200, s12  }
0x26: {  	[tilespmem:s12], [sflag:$0x1] =	stream.indirect_vreg.gather [hbm:s6], $0x80, v0, vm0, $0x38;
	[tilespmem:$0x10200] =	vst v63  }
0x27: {  	s15 =	sadd.s32 $0x10, s14;
	s13 =	sadd.s32 $0x400, s12  }
0x28: {  	[tilespmem:s13], [sflag:$0x1] =	stream.indirect_vreg.gather [hbm:s6], $0x80, v0, vm1, $0x38;
	[tilespmem:$0x10200] =	vst v63  }
0x29: {  	s16 =	simm.s32 $0x80;
	v0 =	vld.msk [tilespmem:s15+$0x0 ss:$0x1], $0xffff;
	s15 =	smov.u32 s12  }
.LBB2_3:
0x2a: {  	p1 =	sne.s32 s16, $0x3C0;
	_ =	sdelay $0x4  }
0x2b: {  	vm2 =	vgt.s32 v0, $0x0  }
0x2c: {  	v0 =	vnsel vm2, $0x0, v0  }
0x2d: {  	v0 =	vmin.u32 v0, $0x1869F  }
0x2e: {  	v0 =	vshll.u32 v0, $0x4;
	_ =	sdelay $0x3  }
.Ltmp3:
0x2f: {  	s17 =	sshra.s32 s16, $0x2;
	s15 =	sadd.s32 $0x800, s15;
	(pc) =	sbr.rel @p1 .LBB2_3-.Ltmp3, $4  }
0x30: {  	[tilespmem:s15], [sflag:$0x1] =	stream.indirect_vreg.gather [hbm:s6], $0x80, v0, vm0, $0x38;
	[tilespmem:$0x10200] =	vst v63  }
0x31: {  	s17 =	sadd.s32 s17, s14;
	s18 =	sadd.s32 $0x400, s15  }
0x32: {  	[tilespmem:s18], [sflag:$0x1] =	stream.indirect_vreg.gather [hbm:s6], $0x80, v0, vm1, $0x38;
	[tilespmem:$0x10200] =	vst v63  }
0x33: {  	s16 =	sadd.s32 $0x40, s16;
	v0 =	vld.msk [tilespmem:s17+$0x0 ss:$0x1], $0xffff  }
0x34: {  	_ =	sdelay $0x3  }
0x35: {  	vm2 =	vgt.s32 v0, $0x0  }
0x36: {  	v0 =	vnsel vm2, $0x0, v0  }
0x37: {  	v0 =	vmin.u32 v0, $0x1869F  }
0x38: {  	v0 =	vshll.u32 v0, $0x4;
	_ =	sdelay $0x3  }
0x39: {  	s14 =	sadd.s32 $0x800, s15  }
0x3a: {  	[tilespmem:s14], [sflag:$0x1] =	stream.indirect_vreg.gather [hbm:s6], $0x80, v0, vm0, $0x38;
	[tilespmem:$0x10200] =	vst v63  }
0x3b: {  	s14 =	sadd.s32 $0x400, s14  }
0x3c: {  	[tilespmem:s14], [sflag:$0x1] =	stream.indirect_vreg.gather [hbm:s6], $0x80, v0, vm1, $0x38;
	[tilespmem:$0x10200] =	vst v63  }
0x3d: {  	s11 =	sshll.u32 s11, $0x4;
	_ =	swait.ge [sflag:s3], $0x8000  }
0x3e: {  	s11 =	sadd.s32 s11, s2;
	[sflag:s3] =	ssyncset.done $0x0  }
0x3f: {  	s15 =	sadd.s32 $0x0, s11;
	s14 =	simm.s32 $0x80;
	[sflag:s3] =	ssyncadd.s32 $0xFFFF8000  }
.LBB2_5:
0x40: {  	[hbm:s15] =	stream.linear.scatter [tilespmem:s12], [sflag:$0x3], $0x400, $0x38;
	[tilespmem:$0x10200] =	vst v63  }
0x41: {  	s15 =	smov.u32 s14;
	s12 =	smov.u32 s13;
	p1 =	sne.s32 s14, $0xF80  }
.Ltmp4:
0x42: {  	s14 =	sadd.s32 $0x80, s14;
	(pc) =	sbr.rel @p1 .LBB2_5-.Ltmp4, $2  }
0x43: {  	_ =	sdelay $0x2  }
0x44: {  	s13 =	sadd.s32 $0x400, s13;
	s15 =	sadd.s32 s15, s11  }
.Ltmp5:
0x45: {  	_ = 	snop;
	(pc) =	sbr.rel .LBB2_6-.Ltmp5, $1  }
0x46: {  	_ =	sdelay $0x3  }
.LBB2_8:
0x47: {  	_ =	sfence.sel $0x180000  }
0x48: {  	s2 =	simm.s32 $0x2;
	[bflag:$0x0] =	sbarrier.arrive $0xFFFF  }
0x49: {  	s30 =	simm.s32 $0x3;
	[sflag:s2] =	ssyncpa.u1 $0x1  }
0x4a: {  	s31 =	simm.s32 $0x1;
	[sflag:s30] =	ssyncpa.u1 $0x1  }
0x4b: {  	[sflag:s31] =	ssyncpa.u1 $0x1  }
0x4c: {  	p0 =	sne.s32 s1, $0x0;
	_ =	strace $0x9000004A  }
0x4d: {  	s0 =	sadd.s32 @!p0 $0x100000, s0;
	[bflag:$0x2] =	sbarrier.arrive $0xFFFF  }
0x4e: {  	[sflag:s0] =	ssyncadd.tile.s32 @!p0 $0x1;
	_ =	shalt  }
.Lfunc_end2:
_tile_overlayer_lowered:
.L_overlay_start_2:
0x4f: {  	(tag) =	ssettag $0x2  }
0x50: {  	s0 =	rddreg [dreg:$0x0];
	s2 =	stileid.u32  }
0x51: {  	s1 =	rddreg [dreg:$0x1];
	p0 =	sne.s32 s2, $0x0  }
0x52: {  	s3 =	rddreg [dreg:$0x2];
	[bflag:$0x3] =	sbarrier.arrive $0xFFFF;
	s2 =	simm.s32 @!p0 $0x1C01  }
0x53: {  	[timem:s3], [sflag:s2] =	dma.local @!p0 [hbm:s0], s1  }
0x54: {  	s0 =	simm.s32 @!p0 $0x1  }
0x55: {  	_ =	swait.ge @!p0 [sflag:s0], s1  }
0x56: {  	s1 =	ssub.s32 @!p0 $0x0, s1;
	[sflag:s0] =	ssyncset.done @!p0 $0x0  }
0x57: {  	[sflag:s0] =	ssyncadd.s32 @!p0 s1  }
0x58: {  	[bflag:$0x3] =	sbarrier.arrive $0xFFFF  }
0x59: {  	_ =	shalt  }

// kernel: gather_offload_async_start.2
scs
__scs_entry_jumppad:
0x0: {  	(pc) =	sbr.rel $0x88, $3  }
0x1: {  	(tag) =	ssettag $0x0;
	lr =	simm.s32 $0x1  }
0x2: {  	[smem:$0x3F99] =	sst lr;
	_ =	strace $0xD0000000  }
0x3: {  	_ = 	snop  }
0x4: {  	_ = 	snop  }
0x5: {  	_ = 	snop  }
0x6: {  	_ = 	snop  }
0x7: {  	_ = 	snop  }
__scs_overlays_trampoline_lowered:
0x8: {  	[smem:$0x3FA8] =	sst s0  }
0x9: {  	[smem:$0x3FA9] =	sst s1  }
0xa: {  	[smem:$0x3FAA] =	sst s2  }
0xb: {  	[smem:$0x3FAB] =	sst s3  }
0xc: {  	[smem:$0x3FAC] =	sst s4  }
0xd: {  	[smem:$0x3FAD] =	sst s5  }
0xe: {  	[smem:$0x3FAE] =	sst s6  }
0xf: {  	[smem:$0x3FAF] =	sst s7  }
0x10: {  	[smem:$0x3FB0] =	sst s8  }
0x11: {  	[smem:$0x3FB1] =	sst s9;
	s0 =	simm.s32 @!p0 $0x0  }
0x12: {  	s1 =	sld [smem:$0x3F97];
	s0 =	simm.s32 @p0 $0x1  }
0x13: {  	[smem:$0x3FB2] =	sst s0;
	s0 =	simm.s32 @!p1 $0x0  }
0x14: {  	s2 =	sld [smem:$0x3F96];
	s0 =	simm.s32 @p1 $0x1  }
0x15: {  	[smem:$0x3FB3] =	sst s0;
	s0 =	simm.s32 @!p2 $0x0  }
0x16: {  	s3 =	sld [smem:$0x3FDB];
	s0 =	simm.s32 @p2 $0x1  }
0x17: {  	s4 =	simm.s32 $0x1BF5;
	[smem:$0x3FB5] =	sst s0  }
0x18: {  	s0 =	sld [smem:$0x3F98];
	_ =	swait.ge [sflag:s4], $0x0  }
0x19: {  	s7 =	sld [smem:$0x3F99]  }
0x1a: {  	s8 =	sadd.s32 $0xFFFFE003, lr  }
0x1b: {  	s9 =	sadd.s32 $0xFFFFFEF7, lr;
	s5 =	simm.s32 $0xFFFFFFFF;
	p2 =	slt.u32 s8, $0xFFFFF086  }
0x1c: {  	p1 =	slt.u32 s9, $0xF7A;
	s5 =	simm.s32 @!p2 $0x0  }
0x1d: {  	s5 =	simm.s32 @p1 $0x1;
	p0 =	seq.s32 s7, s2  }
0x1e: {  	s7 =	smul.u32 @!p0 $0xF7A, s2;
	p2 =	seq.s32 @!p0 s5, $0x0  }
0x1f: {  	s9 =	smul.u32 $0xF7A, s1;
	s8 =	simm.s32 @!p0 $0x1BF5;
	p2 =	por !p2, p0  }
0x20: {  	[sflag:s8] =	ssyncset.s32 @!p0 $0xFFFFF086;
	s6 =	sadd.s32 @!p0 s3, s7;
	s7 =	simm.s32 @!p0 $0x108  }
0x21: {  	s3 =	sadd.s32 s3, s9;
	s6 =	sadd.s32 @!p0 $0x88, s6;
	s7 =	simm.s32 @p2 $0x1082  }
0x22: {  	[simem:s7], [sflag:s8] =	dma.local @!p0 [hbm:s6], $0xF7A  }
0x23: {  	s9 =	sor.u32 $0xD0000000, s2;
	s6 =	simm.s32 $0x108;
	_ =	swait.ge @!p0 [sflag:s8], $0x0  }
0x24: {  	s3 =	sadd.s32 $0x88, s3;
	s6 =	simm.s32 @!p1 $0x1082;
	[sflag:s4] =	ssyncset.s32 $0xFFFFF086  }
0x25: {  	[simem:s6], [sflag:s4] =	dma.local [hbm:s3], $0xF7A  }
0x26: {  	[smem:$0x3F99] =	sst s1;
	(tag) =	ssettag s2;
	_ =	strace s9  }
0x27: {  	s1 =	sld [smem:$0x3FA9]  }
0x28: {  	s2 =	sld [smem:$0x3FAA]  }
0x29: {  	s4 =	sld [smem:$0x3FAC]  }
0x2a: {  	p0 =	seq.s32 s5, $0x0;
	s5 =	sld [smem:$0x3FAD]  }
0x2b: {  	s6 =	sld [smem:$0x3FAE]  }
0x2c: {  	s7 =	sld [smem:$0x3FAF]  }
0x2d: {  	s3 =	simm.s32 $0x108;
	s8 =	sld [smem:$0x3FB0]  }
0x2e: {  	s3 =	simm.s32 @!p0 $0x1082;
	s9 =	sld [smem:$0x3FB1]  }
0x2f: {  	lr =	sadd.s32 s0, s3;
	s0 =	sld [smem:$0x3FA8]  }
0x30: {  	s3 =	sld [smem:$0x3FAB]  }
0x31: {  	[smem:$0x3FB4] =	sst s10  }
0x32: {  	s10 =	sld [smem:$0x3FB2];
	_ =	sdelay $0x3  }
0x33: {  	p0 =	seq.s32 s10, $0x1;
	s10 =	sld [smem:$0x3FB4];
	_ =	sdelay $0x3  }
0x34: {  	[smem:$0x3FB4] =	sst s10  }
0x35: {  	s10 =	sld [smem:$0x3FB3];
	_ =	sdelay $0x3  }
0x36: {  	p1 =	seq.s32 s10, $0x1;
	s10 =	sld [smem:$0x3FB4];
	_ =	sdelay $0x3  }
0x37: {  	[smem:$0x3FB4] =	sst s10  }
0x38: {  	s10 =	sld [smem:$0x3FB5]  }
0x39: {  	_ = 	snop;
	(pc) =	sbr.ind lr, $3  }
0x3a: {  	_ = 	snop  }
0x3b: {  	_ = 	snop  }
0x3c: {  	p2 =	seq.s32 s10, $0x1;
	s10 =	sld [smem:$0x3FB4]  }
0x3d: {  	_ =	shalt  }
0x3e: {  	_ =	shalt  }
0x3f: {  	_ =	shalt  }
0x40: {  	_ =	shalt  }
0x41: {  	_ =	shalt  }
0x42: {  	_ =	shalt  }
0x43: {  	_ =	shalt  }
0x44: {  	_ =	shalt  }
0x45: {  	_ =	shalt  }
0x46: {  	_ =	shalt  }
0x47: {  	_ =	shalt  }
0x48: {  	_ =	shalt  }
0x49: {  	_ =	shalt  }
0x4a: {  	_ =	shalt  }
0x4b: {  	_ =	shalt  }
0x4c: {  	_ =	shalt  }
0x4d: {  	_ =	shalt  }
0x4e: {  	_ =	shalt  }
0x4f: {  	_ =	shalt  }
0x50: {  	_ =	shalt  }
0x51: {  	_ =	shalt  }
0x52: {  	_ =	shalt  }
0x53: {  	_ =	shalt  }
0x54: {  	_ =	shalt  }
0x55: {  	_ =	shalt  }
0x56: {  	_ =	shalt  }
0x57: {  	_ =	shalt  }
0x58: {  	_ =	shalt  }
0x59: {  	_ =	shalt  }
0x5a: {  	_ =	shalt  }
0x5b: {  	_ =	shalt  }
0x5c: {  	_ =	shalt  }
0x5d: {  	_ =	shalt  }
0x5e: {  	_ =	shalt  }
0x5f: {  	_ =	shalt  }
0x60: {  	_ =	shalt  }
0x61: {  	_ =	shalt  }
0x62: {  	_ =	shalt  }
0x63: {  	_ =	shalt  }
0x64: {  	_ =	shalt  }
0x65: {  	_ =	shalt  }
0x66: {  	_ =	shalt  }
0x67: {  	_ =	shalt  }
0x68: {  	_ =	shalt  }
0x69: {  	_ =	shalt  }
0x6a: {  	_ =	shalt  }
0x6b: {  	_ =	shalt  }
0x6c: {  	_ =	shalt  }
0x6d: {  	_ =	shalt  }
0x6e: {  	_ =	shalt  }
0x6f: {  	_ =	shalt  }
0x70: {  	_ =	shalt  }
0x71: {  	_ =	shalt  }
0x72: {  	_ =	shalt  }
0x73: {  	_ =	shalt  }
0x74: {  	_ =	shalt  }
0x75: {  	_ =	shalt  }
0x76: {  	_ =	shalt  }
0x77: {  	_ =	shalt  }
0x78: {  	_ =	shalt  }
0x79: {  	_ =	shalt  }
0x7a: {  	_ =	shalt  }
0x7b: {  	_ =	shalt  }
0x7c: {  	_ =	shalt  }
0x7d: {  	_ =	shalt  }
0x7e: {  	_ =	shalt  }
0x7f: {  	_ =	shalt  }
0x80: {  	_ =	shalt  }
0x81: {  	_ =	shalt  }
0x82: {  	_ =	shalt  }
0x83: {  	_ =	shalt  }
0x84: {  	_ =	shalt  }
0x85: {  	_ =	shalt  }
0x86: {  	_ =	shalt  }
0x87: {  	_ =	shalt  }
.Lfunc_end0:
.L_simem_size_0:
called_computation.2_lowered:
.L_overlay_start_0:
0x88: {  	s2 =	sld [smem:$0x3FD9]  }
0x89: {  	s3 =	sld [smem:$0x3FFE];
	_ =	sdelay $0x1  }
0x8a: {  	s1 =	srdreg.scid  }
0x8b: {  	s0 =	sand.u32 $0x1, s1  }
0x8c: {  	s17 =	sshll.u32 s0, $0xA;
	s2 =	sadd.s32 s3, s2  }
0x8d: {  	s2 =	sadd.s32 s2, s17  }
0x8e: {  	[smem:$0x3FC0] =	sst s2  }
0x8f: {  	_ = 	snop  }
0x90: {  	s2 =	sld [smem:$0x3FD0];
	(tm) =	ssettm $0x1  }
0x91: {  	s18 =	sld [smem:$0x3FFB];
	_ =	sdelay $0x3  }
0x92: {  	_ =	strace s18  }
0x93: {  	s3 =	sld [smem:$0x3FFC];
	_ =	sdelay $0x3  }
0x94: {  	_ =	strace s3  }
0x95: {  	s3 =	sld [smem:$0x3FFD];
	_ =	sdelay $0x3  }
0x96: {  	_ =	strace s3  }
0x97: {  	_ =	strace $0x8FFFFFFF  }
0x98: {  	s19 =	sld [smem:$0x3FDB];
	_ =	sdelay $0x1  }
0x99: {  	s4 =	simm.s32 $_scs_section_size  }
0x9a: {  	s5 =	simm.s32 $_size__tile_overlayer_lowered;
	s6 =	simm.s32 $_tile_overlayer_lowered  }
0x9b: {  	s22 =	simm.s32 $0x1BFF;
	s21 =	sshll.u32 s6, $0x1;
	s3 =	sadd.s32 s4, s19  }
0x9c: {  	s7 =	simm.s32 $0x0;
	s20 =	sshll.u32 s5, $0x1;
	s5 =	sadd.s32 s21, s3  }
0x9d: {  	[timem:s7], [sflag:s22] =	dma.local [hbm:s5], s20  }
0x9e: {  	_ =	swait.ge [sflag:s22], s20  }
0x9f: {  	s4 =	ssub.s32 $0x0, s20;
	[sflag:s22] =	ssyncset.done $0x0  }
0xa0: {  	[sflag:s22] =	ssyncadd.s32 s4;
	_ =	sdelay $0x1  }
0xa1: {  	s23 =	simm.s32 $0x1B8B  }
0xa2: {  	_ =	swait.ge [sflag:s23], $0x1  }
0xa3: {  	[sflag:s23] =	ssyncset.done $0x0  }
0xa4: {  	s25 =	simm.s32 $0x1B8E;
	s24 =	sld [smem:$0x3FFE];
	[sflag:s23] =	ssyncadd.s32 $0xFFFFFFFF  }
0xa5: {  	s26 =	simm.s32 $execute0_lowered;
	[smem:$0x3FD2] =	sst s25  }
0xa6: {  	s5 =	sshll.u32 s26, $0x1;
	_ =	strace $0x8000004C;
	[dreg:$0x1] =	wrdreg $0xFFFFFFFF  }
0xa7: {  	s28 =	simm.s32 $_size_execute0_lowered;
	s3 =	sadd.s32 s3, s5;
	[dreg:$0x0] =	wrdreg $0x0  }
0xa8: {  	s5 =	sshll.u32 s28, $0x1;
	[dreg:$0x2] =	wrdreg s3  }
0xa9: {  	[dreg:$0x3] =	wrdreg s5  }
0xaa: {  	[dreg:$0x4] =	wrdreg $0xC0  }
0xab: {  	_ =	task [dreg:s7], $0x5FFFF  }
0xac: {  	[dreg:$0x1] =	wrdreg $0xFFFFFFFF  }
0xad: {  	[dreg:$0x0] =	wrdreg $0x60  }
0xae: {  	[dreg:$0x2] =	wrdreg s24  }
0xaf: {  	[dreg:$0x3] =	wrdreg s2  }
0xb0: {  	[dreg:$0x4] =	wrdreg $0x9  }
0xb1: {  	_ =	task.clear_ibuf [dreg:s7], $0x5FFFF;
	_ =	strace $0x9000004C  }
0xb2: {  	s29 =	simm.s32 $0x9;
	_ =	strace $0x8000004E  }
0xb3: {  	_ =	swait.ge [sflag:s29], $0x1  }
0xb4: {  	[sflag:s29] =	ssyncadd.s32 $0xFFFFFFFF  }
0xb5: {  	_ =	strace $0x9000004E  }
0xb6: {  	_ =	sfence  }
0xb7: {  	s30 =	sld [smem:$0x0];
	_ =	sdelay $0x2  }
0xb8: {  	s31 =	sshll.u32 s1, $0xD;
	s1 =	sshrl.u32 s1, $0x2  }
0xb9: {  	s3 =	sand.u32 $0x4000, s31;
	s1 =	sadd.s32 s1, s30  }
0xba: {  	s0 =	sor.u32 s3, s0;
	s1 =	sshll.u32 s1, $0x11  }
0xbb: {  	s0 =	sor.u32 s1, s0  }
0xbc: {  	s0 =	sadd.s32 $0x8F2B, s0  }
0xbd: {  	[sflag:s0] =	ssyncadd.remote.s32 $0x1  }
0xbe: {  	_ =	sfence.sel $0xFFFF  }
0xbf: {  	[dreg:$0x0] =	wrdreg $0xFFFFFFFF;
	(pc) =	sbr.abs _section_cstart, $3  }
0xc0: {  	[dreg:$0x1] =	wrdreg $0xFFFFFFFF  }
0xc1: {  	_ =	task.clear_ibuf [dreg:s7], $0x2FFFF;
	_ =	strace $0x9FFFFFFF  }
0xc2: {  	(tm) =	ssettm $0x7FFFFFFF  }
0xc3: {  	_ =	shalt  }
tec
execute0_lowered:
.L_overlay_start_1:
0x0: {  	(tag) =	ssettag $0x1  }
0x1: {  	s0 =	srdreg.scid  }
0x2: {  	s1 =	sshll.u32 s0, $0x4  }
0x3: {  	s0 =	stileid.u32;
	s1 =	sand.u32 $0x10, s1  }
0x4: {  	s9 =	rddreg [dreg:$0x0];
	s1 =	sor.u32 s0, s1  }
0x5: {  	s3 =	rddreg [dreg:$0x1];
	s2 =	smin.u32 s1, $0x8  }
0x6: {  	p0 =	slt.u32 s1, $0x8;
	s2 =	sadd.s32 s1, s2;
	s1 =	simm.s32 $0x200  }
0x7: {  	s6 =	simm.s32 $0x1;
	s2 =	sshll.u32 s2, $0x8;
	s1 =	simm.s32 @!p0 $0x100  }
0x8: {  	s7 =	simm.s32 $0x2;
	s10 =	simm.s32 $0x3;
	s4 =	sadd.s32 s1, s2  }
0x9: {  	s13 =	simm.s32 $0x0;
	s12 =	simm.s32 $0x0;
	s4 =	smin.u32 s4, $0x2800  }
.Ltmp0:
0xa: {  	s5 =	sadd.s32 $0x4400, s9;
	s8 =	ssub.s32 s4, s2;
	(pc) =	sbr.rel .LBB2_1-.Ltmp0, $4  }
0xb: {  	s1 =	rddreg [dreg:$0x2];
	_ =	strace $0x8000004D;
	p0 =	sgt.s32 s8, $0x0  }
0xc: {  	s9 =	sadd.s32 $0x2A00, s9;
	[sflag:s6] =	ssyncpa.u1 $0x0;
	s8 =	simm.s32 @!p0 $0x0  }
0xd: {  	s11 =	smov.u32 s2;
	[sflag:s7] =	ssyncpa.u1 $0x0;
	s8 =	sshrl.u32 s8, $0x8  }
0xe: {  	vm0 =	vmmov $0xff;
	vm1 =	vcmask $0x3F20;
	[sflag:s10] =	ssyncpa.u1 $0x0;
	p0 =	por $0x0, $0x0;
	s10 =	sadd.s32 $0x1, s8  }
.LBB2_6:
0xf: {  	[hbm:s17] =	stream.linear.scatter [tilespmem:s14], [sflag:$0x3], $0x400, $0x38;
	[tilespmem:$0x10200] =	vst v63  }
.LBB2_7:
0x10: {  	s13 =	sadd.s32 $0x100, s11  }
0x11: {  	s15 =	smov.u32 s2;
	p2 =	slt.s32 s13, s4  }
0x12: {  	s15 =	smov.u32 @p2 s13;
	p2 =	sne.s32 s12, s10  }
.Ltmp1:
0x13: {  	p1 =	slt.u32 s12, $0x2;
	(pc) =	sbr.rel @!p2 .LBB2_8-.Ltmp1, $4  }
0x14: {  	s14 =	simm.s32 @!p1 $0x3  }
0x15: {  	s16 =	sadd.s32 $0x1, s12;
	_ =	swait.ge @!p1 [sflag:s14], $0x8000  }
0x16: {  	p0 =	por !p0, !p0;
	s13 =	smov.u32 s11;
	[sflag:s14] =	ssyncset.done @!p1 $0x0  }
0x17: {  	s12 =	smov.u32 s16;
	s11 =	smov.u32 s15;
	[sflag:s14] =	ssyncadd.s32 @!p1 $0xFFFF8000  }
.LBB2_1:
0x18: {  	p1 =	sge.u32 s12, s8  }
0x19: {  	s14 =	sxor.u32 @!p1 $0xFFFFFFFF, s12  }
0x1a: {  	s31 =	sadd.s32 $0xFFFFFFFF, s12;
	s15 =	sshrl.u32 @!p1 s11, $0x3;
	s14 =	sshll.u32 @!p1 s14, $0x8  }
0x1b: {  	s16 =	sand.u32 @!p1 $0x7, s11;
	s15 =	sadd.s32 @!p1 s9, s15;
	s14 =	sand.u32 @!p1 $0x100, s14  }
0x1c: {  	[tilespmem:s14], [sflag:$0x2] =	stream.linear.gather @!p1 [hbm4b:s15+s16], $0x100, $0x38;
	[tilespmem:$0x10200] =	vst v63  }
0x1d: {  	p1 =	sge.u32 s31, s8  }
.Ltmp2:
0x1e: {  	_ = 	snop;
	(pc) =	sbr.rel @p1 .LBB2_7-.Ltmp2, $1  }
0x1f: {  	_ =	sdelay $0x3  }
0x20: {  	s14 =	simm.s32 $0x1  }
0x21: {  	_ =	swait.ge [sflag:s7], $0x100;
	s14 =	simm.s32 @!p0 $0x0  }
0x22: {  	[sflag:s7] =	ssyncset.done $0x0;
	s16 =	sshll.u32 s14, $0x8  }
0x23: {  	[sflag:s7] =	ssyncadd.s32 $0xFFFFFF00;
	s15 =	sadd.s32 $0x0, s16  }
0x24: {  	v0 =	vld.msk [tilespmem:s15+$0x0 ss:$0x1], $0xffff;
	_ =	sdelay $0x4  }
0x25: {  	vm2 =	vgt.s32 v0, $0x0  }
0x26: {  	v0 =	vnsel vm2, $0x0, v0  }
0x27: {  	v0 =	vmin.u32 v0, $0x1869F  }
0x28: {  	v0 =	vshll.u32 v0, $0x4;
	_ =	sdelay $0x2  }
0x29: {  	s14 =	sshll.u32 s14, $0xF  }
0x2a: {  	s14 =	sor.u32 $0x200, s14  }
0x2b: {  	[tilespmem:s14], [sflag:$0x1] =	stream.indirect_vreg.gather [hbm:s5], $0x80, v0, vm0, $0x38;
	[tilespmem:$0x10200] =	vst v63  }
0x2c: {  	s17 =	sadd.s32 $0x10, s16;
	s15 =	sadd.s32 $0x400, s14  }
0x2d: {  	[tilespmem:s15], [sflag:$0x1] =	stream.indirect_vreg.gather [hbm:s5], $0x80, v0, vm1, $0x38;
	[tilespmem:$0x10200] =	vst v63  }
0x2e: {  	s18 =	simm.s32 $0x80;
	v0 =	vld.msk [tilespmem:s17+$0x0 ss:$0x1], $0xffff;
	s17 =	smov.u32 s14  }
.LBB2_3:
0x2f: {  	p1 =	sne.s32 s18, $0x3C0;
	_ =	sdelay $0x4  }
0x30: {  	vm2 =	vgt.s32 v0, $0x0  }
0x31: {  	v0 =	vnsel vm2, $0x0, v0  }
0x32: {  	v0 =	vmin.u32 v0, $0x1869F  }
0x33: {  	v0 =	vshll.u32 v0, $0x4;
	_ =	sdelay $0x3  }
.Ltmp3:
0x34: {  	s19 =	sshra.s32 s18, $0x2;
	s17 =	sadd.s32 $0x800, s17;
	(pc) =	sbr.rel @p1 .LBB2_3-.Ltmp3, $4  }
0x35: {  	[tilespmem:s17], [sflag:$0x1] =	stream.indirect_vreg.gather [hbm:s5], $0x80, v0, vm0, $0x38;
	[tilespmem:$0x10200] =	vst v63  }
0x36: {  	s19 =	sadd.s32 s19, s16;
	s20 =	sadd.s32 $0x400, s17  }
0x37: {  	[tilespmem:s20], [sflag:$0x1] =	stream.indirect_vreg.gather [hbm:s5], $0x80, v0, vm1, $0x38;
	[tilespmem:$0x10200] =	vst v63  }
0x38: {  	s18 =	sadd.s32 $0x40, s18;
	v0 =	vld.msk [tilespmem:s19+$0x0 ss:$0x1], $0xffff  }
0x39: {  	_ =	sdelay $0x3  }
0x3a: {  	vm2 =	vgt.s32 v0, $0x0  }
0x3b: {  	v0 =	vnsel vm2, $0x0, v0  }
0x3c: {  	v0 =	vmin.u32 v0, $0x1869F  }
0x3d: {  	v0 =	vshll.u32 v0, $0x4;
	_ =	sdelay $0x3  }
0x3e: {  	s16 =	sadd.s32 $0x800, s17  }
0x3f: {  	[tilespmem:s16], [sflag:$0x1] =	stream.indirect_vreg.gather [hbm:s5], $0x80, v0, vm0, $0x38;
	[tilespmem:$0x10200] =	vst v63  }
0x40: {  	s16 =	sadd.s32 $0x400, s16  }
0x41: {  	[tilespmem:s16], [sflag:$0x1] =	stream.indirect_vreg.gather [hbm:s5], $0x80, v0, vm1, $0x38;
	[tilespmem:$0x10200] =	vst v63  }
0x42: {  	s13 =	sshll.u32 s13, $0x4;
	_ =	swait.ge [sflag:s6], $0x8000  }
0x43: {  	s13 =	sadd.s32 s13, s3;
	[sflag:s6] =	ssyncset.done $0x0  }
0x44: {  	s17 =	sadd.s32 $0x0, s13;
	s16 =	simm.s32 $0x80;
	[sflag:s6] =	ssyncadd.s32 $0xFFFF8000  }
.LBB2_5:
0x45: {  	[hbm:s17] =	stream.linear.scatter [tilespmem:s14], [sflag:$0x3], $0x400, $0x38;
	[tilespmem:$0x10200] =	vst v63  }
0x46: {  	s17 =	smov.u32 s16;
	s14 =	smov.u32 s15;
	p1 =	sne.s32 s16, $0xF80  }
.Ltmp4:
0x47: {  	s16 =	sadd.s32 $0x80, s16;
	(pc) =	sbr.rel @p1 .LBB2_5-.Ltmp4, $2  }
0x48: {  	_ =	sdelay $0x2  }
0x49: {  	s15 =	sadd.s32 $0x400, s15;
	s17 =	sadd.s32 s17, s13  }
.Ltmp5:
0x4a: {  	_ = 	snop;
	(pc) =	sbr.rel .LBB2_6-.Ltmp5, $1  }
0x4b: {  	_ =	sdelay $0x3  }
.LBB2_8:
0x4c: {  	_ =	sfence.sel $0x180000  }
0x4d: {  	s2 =	simm.s32 $0x2;
	[bflag:$0x0] =	sbarrier.arrive $0xFFFF  }
0x4e: {  	s30 =	simm.s32 $0x3;
	[sflag:s2] =	ssyncpa.u1 $0x1  }
0x4f: {  	s31 =	simm.s32 $0x1;
	[sflag:s30] =	ssyncpa.u1 $0x1  }
0x50: {  	[sflag:s31] =	ssyncpa.u1 $0x1  }
0x51: {  	p0 =	sne.s32 s0, $0x0;
	_ =	strace $0x9000004D  }
0x52: {  	s0 =	sadd.s32 @!p0 $0x100000, s1;
	[bflag:$0x2] =	sbarrier.arrive $0xFFFF  }
0x53: {  	[sflag:s0] =	ssyncadd.tile.s32 @!p0 $0x1;
	_ =	shalt  }
.Lfunc_end2:
_tile_overlayer_lowered:
.L_overlay_start_2:
0x54: {  	(tag) =	ssettag $0x2  }
0x55: {  	s0 =	rddreg [dreg:$0x0];
	s2 =	stileid.u32  }
0x56: {  	s1 =	rddreg [dreg:$0x1];
	p0 =	sne.s32 s2, $0x0  }
0x57: {  	s3 =	rddreg [dreg:$0x2];
	[bflag:$0x3] =	sbarrier.arrive $0xFFFF;
	s2 =	simm.s32 @!p0 $0x1C01  }
0x58: {  	[timem:s3], [sflag:s2] =	dma.local @!p0 [hbm:s0], s1  }
0x59: {  	s0 =	simm.s32 @!p0 $0x1  }
0x5a: {  	_ =	swait.ge @!p0 [sflag:s0], s1  }
0x5b: {  	s1 =	ssub.s32 @!p0 $0x0, s1;
	[sflag:s0] =	ssyncset.done @!p0 $0x0  }
0x5c: {  	[sflag:s0] =	ssyncadd.s32 @!p0 s1  }
0x5d: {  	[bflag:$0x3] =	sbarrier.arrive $0xFFFF  }
0x5e: {  	_ =	shalt  }

// kernel: gather_offload_async_start
scs
__scs_entry_jumppad:
0x0: {  	(pc) =	sbr.rel $0x88, $3  }
0x1: {  	(tag) =	ssettag $0x0;
	lr =	simm.s32 $0x1  }
0x2: {  	[smem:$0x3F99] =	sst lr;
	_ =	strace $0xD0000000  }
0x3: {  	_ = 	snop  }
0x4: {  	_ = 	snop  }
0x5: {  	_ = 	snop  }
0x6: {  	_ = 	snop  }
0x7: {  	_ = 	snop  }
__scs_overlays_trampoline_lowered:
0x8: {  	[smem:$0x3FA8] =	sst s0  }
0x9: {  	[smem:$0x3FA9] =	sst s1  }
0xa: {  	[smem:$0x3FAA] =	sst s2  }
0xb: {  	[smem:$0x3FAB] =	sst s3  }
0xc: {  	[smem:$0x3FAC] =	sst s4  }
0xd: {  	[smem:$0x3FAD] =	sst s5  }
0xe: {  	[smem:$0x3FAE] =	sst s6  }
0xf: {  	[smem:$0x3FAF] =	sst s7  }
0x10: {  	[smem:$0x3FB0] =	sst s8  }
0x11: {  	[smem:$0x3FB1] =	sst s9;
	s0 =	simm.s32 @!p0 $0x0  }
0x12: {  	s1 =	sld [smem:$0x3F97];
	s0 =	simm.s32 @p0 $0x1  }
0x13: {  	[smem:$0x3FB2] =	sst s0;
	s0 =	simm.s32 @!p1 $0x0  }
0x14: {  	s2 =	sld [smem:$0x3F96];
	s0 =	simm.s32 @p1 $0x1  }
0x15: {  	[smem:$0x3FB3] =	sst s0;
	s0 =	simm.s32 @!p2 $0x0  }
0x16: {  	s3 =	sld [smem:$0x3FDB];
	s0 =	simm.s32 @p2 $0x1  }
0x17: {  	s4 =	simm.s32 $0x1BF5;
	[smem:$0x3FB5] =	sst s0  }
0x18: {  	s0 =	sld [smem:$0x3F98];
	_ =	swait.ge [sflag:s4], $0x0  }
0x19: {  	s7 =	sld [smem:$0x3F99]  }
0x1a: {  	s8 =	sadd.s32 $0xFFFFE003, lr  }
0x1b: {  	s9 =	sadd.s32 $0xFFFFFEF7, lr;
	s5 =	simm.s32 $0xFFFFFFFF;
	p2 =	slt.u32 s8, $0xFFFFF086  }
0x1c: {  	p1 =	slt.u32 s9, $0xF7A;
	s5 =	simm.s32 @!p2 $0x0  }
0x1d: {  	s5 =	simm.s32 @p1 $0x1;
	p0 =	seq.s32 s7, s2  }
0x1e: {  	s7 =	smul.u32 @!p0 $0xF7A, s2;
	p2 =	seq.s32 @!p0 s5, $0x0  }
0x1f: {  	s9 =	smul.u32 $0xF7A, s1;
	s8 =	simm.s32 @!p0 $0x1BF5;
	p2 =	por !p2, p0  }
0x20: {  	[sflag:s8] =	ssyncset.s32 @!p0 $0xFFFFF086;
	s6 =	sadd.s32 @!p0 s3, s7;
	s7 =	simm.s32 @!p0 $0x108  }
0x21: {  	s3 =	sadd.s32 s3, s9;
	s6 =	sadd.s32 @!p0 $0x88, s6;
	s7 =	simm.s32 @p2 $0x1082  }
0x22: {  	[simem:s7], [sflag:s8] =	dma.local @!p0 [hbm:s6], $0xF7A  }
0x23: {  	s9 =	sor.u32 $0xD0000000, s2;
	s6 =	simm.s32 $0x108;
	_ =	swait.ge @!p0 [sflag:s8], $0x0  }
0x24: {  	s3 =	sadd.s32 $0x88, s3;
	s6 =	simm.s32 @!p1 $0x1082;
	[sflag:s4] =	ssyncset.s32 $0xFFFFF086  }
0x25: {  	[simem:s6], [sflag:s4] =	dma.local [hbm:s3], $0xF7A  }
0x26: {  	[smem:$0x3F99] =	sst s1;
	(tag) =	ssettag s2;
	_ =	strace s9  }
0x27: {  	s1 =	sld [smem:$0x3FA9]  }
0x28: {  	s2 =	sld [smem:$0x3FAA]  }
0x29: {  	s4 =	sld [smem:$0x3FAC]  }
0x2a: {  	p0 =	seq.s32 s5, $0x0;
	s5 =	sld [smem:$0x3FAD]  }
0x2b: {  	s6 =	sld [smem:$0x3FAE]  }
0x2c: {  	s7 =	sld [smem:$0x3FAF]  }
0x2d: {  	s3 =	simm.s32 $0x108;
	s8 =	sld [smem:$0x3FB0]  }
0x2e: {  	s3 =	simm.s32 @!p0 $0x1082;
	s9 =	sld [smem:$0x3FB1]  }
0x2f: {  	lr =	sadd.s32 s0, s3;
	s0 =	sld [smem:$0x3FA8]  }
0x30: {  	s3 =	sld [smem:$0x3FAB]  }
0x31: {  	[smem:$0x3FB4] =	sst s10  }
0x32: {  	s10 =	sld [smem:$0x3FB2];
	_ =	sdelay $0x3  }
0x33: {  	p0 =	seq.s32 s10, $0x1;
	s10 =	sld [smem:$0x3FB4];
	_ =	sdelay $0x3  }
0x34: {  	[smem:$0x3FB4] =	sst s10  }
0x35: {  	s10 =	sld [smem:$0x3FB3];
	_ =	sdelay $0x3  }
0x36: {  	p1 =	seq.s32 s10, $0x1;
	s10 =	sld [smem:$0x3FB4];
	_ =	sdelay $0x3  }
0x37: {  	[smem:$0x3FB4] =	sst s10  }
0x38: {  	s10 =	sld [smem:$0x3FB5]  }
0x39: {  	_ = 	snop;
	(pc) =	sbr.ind lr, $3  }
0x3a: {  	_ = 	snop  }
0x3b: {  	_ = 	snop  }
0x3c: {  	p2 =	seq.s32 s10, $0x1;
	s10 =	sld [smem:$0x3FB4]  }
0x3d: {  	_ =	shalt  }
0x3e: {  	_ =	shalt  }
0x3f: {  	_ =	shalt  }
0x40: {  	_ =	shalt  }
0x41: {  	_ =	shalt  }
0x42: {  	_ =	shalt  }
0x43: {  	_ =	shalt  }
0x44: {  	_ =	shalt  }
0x45: {  	_ =	shalt  }
0x46: {  	_ =	shalt  }
0x47: {  	_ =	shalt  }
0x48: {  	_ =	shalt  }
0x49: {  	_ =	shalt  }
0x4a: {  	_ =	shalt  }
0x4b: {  	_ =	shalt  }
0x4c: {  	_ =	shalt  }
0x4d: {  	_ =	shalt  }
0x4e: {  	_ =	shalt  }
0x4f: {  	_ =	shalt  }
0x50: {  	_ =	shalt  }
0x51: {  	_ =	shalt  }
0x52: {  	_ =	shalt  }
0x53: {  	_ =	shalt  }
0x54: {  	_ =	shalt  }
0x55: {  	_ =	shalt  }
0x56: {  	_ =	shalt  }
0x57: {  	_ =	shalt  }
0x58: {  	_ =	shalt  }
0x59: {  	_ =	shalt  }
0x5a: {  	_ =	shalt  }
0x5b: {  	_ =	shalt  }
0x5c: {  	_ =	shalt  }
0x5d: {  	_ =	shalt  }
0x5e: {  	_ =	shalt  }
0x5f: {  	_ =	shalt  }
0x60: {  	_ =	shalt  }
0x61: {  	_ =	shalt  }
0x62: {  	_ =	shalt  }
0x63: {  	_ =	shalt  }
0x64: {  	_ =	shalt  }
0x65: {  	_ =	shalt  }
0x66: {  	_ =	shalt  }
0x67: {  	_ =	shalt  }
0x68: {  	_ =	shalt  }
0x69: {  	_ =	shalt  }
0x6a: {  	_ =	shalt  }
0x6b: {  	_ =	shalt  }
0x6c: {  	_ =	shalt  }
0x6d: {  	_ =	shalt  }
0x6e: {  	_ =	shalt  }
0x6f: {  	_ =	shalt  }
0x70: {  	_ =	shalt  }
0x71: {  	_ =	shalt  }
0x72: {  	_ =	shalt  }
0x73: {  	_ =	shalt  }
0x74: {  	_ =	shalt  }
0x75: {  	_ =	shalt  }
0x76: {  	_ =	shalt  }
0x77: {  	_ =	shalt  }
0x78: {  	_ =	shalt  }
0x79: {  	_ =	shalt  }
0x7a: {  	_ =	shalt  }
0x7b: {  	_ =	shalt  }
0x7c: {  	_ =	shalt  }
0x7d: {  	_ =	shalt  }
0x7e: {  	_ =	shalt  }
0x7f: {  	_ =	shalt  }
0x80: {  	_ =	shalt  }
0x81: {  	_ =	shalt  }
0x82: {  	_ =	shalt  }
0x83: {  	_ =	shalt  }
0x84: {  	_ =	shalt  }
0x85: {  	_ =	shalt  }
0x86: {  	_ =	shalt  }
0x87: {  	_ =	shalt  }
.Lfunc_end0:
.L_simem_size_0:
called_computation_lowered:
.L_overlay_start_0:
0x88: {  	s2 =	sld [smem:$0x3FD9]  }
0x89: {  	s3 =	sld [smem:$0x3FFE];
	_ =	sdelay $0x1  }
0x8a: {  	s1 =	srdreg.scid  }
0x8b: {  	s0 =	sand.u32 $0x1, s1  }
0x8c: {  	s17 =	sshll.u32 s0, $0xA;
	s2 =	sadd.s32 s3, s2  }
0x8d: {  	s2 =	sadd.s32 s2, s17  }
0x8e: {  	[smem:$0x3FC0] =	sst s2  }
0x8f: {  	_ = 	snop  }
0x90: {  	s2 =	sld [smem:$0x3FD0];
	(tm) =	ssettm $0x1  }
0x91: {  	s18 =	sld [smem:$0x3FFB];
	_ =	sdelay $0x3  }
0x92: {  	_ =	strace s18  }
0x93: {  	s3 =	sld [smem:$0x3FFC];
	_ =	sdelay $0x3  }
0x94: {  	_ =	strace s3  }
0x95: {  	s3 =	sld [smem:$0x3FFD];
	_ =	sdelay $0x3  }
0x96: {  	_ =	strace s3  }
0x97: {  	_ =	strace $0x8FFFFFFF  }
0x98: {  	s19 =	sld [smem:$0x3FDB];
	_ =	sdelay $0x1  }
0x99: {  	s4 =	simm.s32 $_scs_section_size  }
0x9a: {  	s5 =	simm.s32 $_size__tile_overlayer_lowered;
	s6 =	simm.s32 $_tile_overlayer_lowered  }
0x9b: {  	s22 =	simm.s32 $0x1BFF;
	s21 =	sshll.u32 s6, $0x1;
	s3 =	sadd.s32 s4, s19  }
0x9c: {  	s7 =	simm.s32 $0x0;
	s20 =	sshll.u32 s5, $0x1;
	s5 =	sadd.s32 s21, s3  }
0x9d: {  	[timem:s7], [sflag:s22] =	dma.local [hbm:s5], s20  }
0x9e: {  	_ =	swait.ge [sflag:s22], s20  }
0x9f: {  	s4 =	ssub.s32 $0x0, s20;
	[sflag:s22] =	ssyncset.done $0x0  }
0xa0: {  	[sflag:s22] =	ssyncadd.s32 s4;
	_ =	sdelay $0x1  }
0xa1: {  	s23 =	simm.s32 $0x1B8B  }
0xa2: {  	_ =	swait.ge [sflag:s23], $0x1  }
0xa3: {  	[sflag:s23] =	ssyncset.done $0x0  }
0xa4: {  	s25 =	simm.s32 $0x1B8E;
	s24 =	sld [smem:$0x3FFE];
	[sflag:s23] =	ssyncadd.s32 $0xFFFFFFFF  }
0xa5: {  	s26 =	simm.s32 $execute0_lowered;
	[smem:$0x3FD2] =	sst s25  }
0xa6: {  	s5 =	sshll.u32 s26, $0x1;
	_ =	strace $0x80000046;
	[dreg:$0x1] =	wrdreg $0xFFFFFFFF  }
0xa7: {  	s28 =	simm.s32 $_size_execute0_lowered;
	s3 =	sadd.s32 s3, s5;
	[dreg:$0x0] =	wrdreg $0x0  }
0xa8: {  	s5 =	sshll.u32 s28, $0x1;
	[dreg:$0x2] =	wrdreg s3  }
0xa9: {  	[dreg:$0x3] =	wrdreg s5  }
0xaa: {  	[dreg:$0x4] =	wrdreg $0xC0  }
0xab: {  	_ =	task [dreg:s7], $0x5FFFF  }
0xac: {  	[dreg:$0x1] =	wrdreg $0xFFFFFFFF  }
0xad: {  	[dreg:$0x0] =	wrdreg $0x60  }
0xae: {  	[dreg:$0x2] =	wrdreg s24  }
0xaf: {  	[dreg:$0x3] =	wrdreg s2  }
0xb0: {  	[dreg:$0x4] =	wrdreg $0x9  }
0xb1: {  	_ =	task.clear_ibuf [dreg:s7], $0x5FFFF;
	_ =	strace $0x90000046  }
0xb2: {  	s29 =	simm.s32 $0x9;
	_ =	strace $0x80000048  }
0xb3: {  	_ =	swait.ge [sflag:s29], $0x1  }
0xb4: {  	[sflag:s29] =	ssyncadd.s32 $0xFFFFFFFF  }
0xb5: {  	_ =	strace $0x90000048  }
0xb6: {  	_ =	sfence  }
0xb7: {  	s30 =	sld [smem:$0x0];
	_ =	sdelay $0x2  }
0xb8: {  	s31 =	sshll.u32 s1, $0xD;
	s1 =	sshrl.u32 s1, $0x2  }
0xb9: {  	s3 =	sand.u32 $0x4000, s31;
	s1 =	sadd.s32 s1, s30  }
0xba: {  	s0 =	sor.u32 s3, s0;
	s1 =	sshll.u32 s1, $0x11  }
0xbb: {  	s0 =	sor.u32 s1, s0  }
0xbc: {  	s0 =	sadd.s32 $0x8F2B, s0  }
0xbd: {  	[sflag:s0] =	ssyncadd.remote.s32 $0x1  }
0xbe: {  	_ =	sfence.sel $0xFFFF  }
0xbf: {  	[dreg:$0x0] =	wrdreg $0xFFFFFFFF;
	(pc) =	sbr.abs _section_cstart, $3  }
0xc0: {  	[dreg:$0x1] =	wrdreg $0xFFFFFFFF  }
0xc1: {  	_ =	task.clear_ibuf [dreg:s7], $0x2FFFF;
	_ =	strace $0x9FFFFFFF  }
0xc2: {  	(tm) =	ssettm $0x7FFFFFFF  }
0xc3: {  	_ =	shalt  }
tec
execute0_lowered:
.L_overlay_start_1:
0x0: {  	(tag) =	ssettag $0x1  }
0x1: {  	s7 =	rddreg [dreg:$0x0]  }
0x2: {  	s0 =	srdreg.scid;
	s2 =	rddreg [dreg:$0x1]  }
0x3: {  	s1 =	stileid.u32;
	s5 =	simm.s32 $0x2;
	s9 =	simm.s32 $0x3  }
0x4: {  	s3 =	sshll.u32 s0, $0x4;
	s0 =	rddreg [dreg:$0x2];
	_ =	strace $0x80000047  }
.Ltmp0:
0x5: {  	s4 =	sand.u32 $0x10, s3;
	s3 =	simm.s32 $0x1;
	(pc) =	sbr.rel .LBB2_1-.Ltmp0, $4  }
0x6: {  	s11 =	simm.s32 $0x0;
	s4 =	sor.u32 s1, s4;
	[sflag:s3] =	ssyncpa.u1 $0x0  }
0x7: {  	p0 =	por $0x0, $0x0;
	s4 =	smul.u32 $0x640, s4;
	[sflag:s5] =	ssyncpa.u1 $0x0  }
0x8: {  	s6 =	sadd.s32 $0x4400, s7;
	s7 =	sadd.s32 $0x2A00, s7;
	[sflag:s9] =	ssyncpa.u1 $0x0  }
0x9: {  	vm0 =	vmmov $0xff;
	vm1 =	vcmask $0x3F20;
	s9 =	simm.s32 $0x0;
	s8 =	sadd.s32 $0x640, s4;
	s10 =	smov.u32 s4  }
.LBB2_6:
0xa: {  	[hbm:s15] =	stream.linear.scatter [tilespmem:s12], [sflag:$0x3], $0x400, $0x38;
	[tilespmem:$0x14280] =	vst v63  }
.LBB2_7:
0xb: {  	p1 =	slt.u32 s9, $0x2;
	s11 =	sadd.s32 $0x140, s10  }
0xc: {  	s13 =	smov.u32 s4;
	s9 =	sadd.s32 $0x1, s9;
	p2 =	slt.s32 s11, s8  }
0xd: {  	s13 =	smov.u32 @p2 s11;
	p2 =	sne.s32 s9, $0x7  }
.Ltmp1:
0xe: {  	_ = 	snop;
	(pc) =	sbr.rel @!p2 .LBB2_8-.Ltmp1, $4  }
0xf: {  	s12 =	simm.s32 @!p1 $0x3  }
0x10: {  	_ =	swait.ge @!p1 [sflag:s12], $0xA000  }
0x11: {  	p0 =	por !p0, !p0;
	[sflag:s12] =	ssyncset.done @!p1 $0x0  }
0x12: {  	s11 =	smov.u32 s10;
	s10 =	smov.u32 s13;
	[sflag:s12] =	ssyncadd.s32 @!p1 $0xFFFF6000  }
.LBB2_1:
0x13: {  	p1 =	sgt.u32 s9, $0x4  }
0x14: {  	s12 =	sxor.u32 @!p1 $0xFFFFFFFF, s9  }
0x15: {  	s12 =	sand.u32 @!p1 $0x1, s12  }
0x16: {  	s12 =	smul.u32 @!p1 $0x500, s12  }
0x17: {  	s31 =	sadd.s32 $0xFFFFFFFF, s9;
	s13 =	sshrl.u32 @!p1 s10, $0x3  }
0x18: {  	s14 =	sand.u32 @!p1 $0x7, s10;
	s13 =	sadd.s32 @!p1 s7, s13;
	s12 =	sshrl.u32 @!p1 s12, $0x2  }
0x19: {  	[tilespmem:s12], [sflag:$0x2] =	stream.linear.gather @!p1 [hbm4b:s13+s14], $0x140, $0x38;
	[tilespmem:$0x14280] =	vst v63  }
0x1a: {  	p1 =	sgt.u32 s31, $0x4  }
.Ltmp2:
0x1b: {  	_ = 	snop;
	(pc) =	sbr.rel @p1 .LBB2_7-.Ltmp2, $1  }
0x1c: {  	_ =	sdelay $0x3  }
0x1d: {  	s12 =	simm.s32 $0x1  }
0x1e: {  	s12 =	simm.s32 @!p0 $0x0  }
0x1f: {  	s13 =	smul.u32 $0x500, s12  }
0x20: {  	_ =	swait.ge [sflag:s5], $0x140  }
0x21: {  	[sflag:s5] =	ssyncset.done $0x0;
	s14 =	sshrl.u32 s13, $0x2  }
0x22: {  	[sflag:s5] =	ssyncadd.s32 $0xFFFFFEC0;
	s13 =	sadd.s32 $0x0, s14  }
0x23: {  	v0 =	vld.msk [tilespmem:s13+$0x0 ss:$0x1], $0xffff;
	_ =	sdelay $0x4  }
0x24: {  	vm2 =	vgt.s32 v0, $0x0  }
0x25: {  	v0 =	vnsel vm2, $0x0, v0  }
0x26: {  	v0 =	vmin.u32 v0, $0x1869F  }
0x27: {  	v0 =	vshll.u32 v0, $0x4  }
0x28: {  	s12 =	smul.u32 $0x28000, s12;
	_ =	sdelay $0x1  }
0x29: {  	s12 =	sshrl.u32 s12, $0x2  }
0x2a: {  	s12 =	sor.u32 $0x280, s12  }
0x2b: {  	[tilespmem:s12], [sflag:$0x1] =	stream.indirect_vreg.gather [hbm:s6], $0x80, v0, vm0, $0x38;
	[tilespmem:$0x14280] =	vst v63  }
0x2c: {  	s15 =	sadd.s32 $0x10, s14;
	s13 =	sadd.s32 $0x400, s12  }
0x2d: {  	[tilespmem:s13], [sflag:$0x1] =	stream.indirect_vreg.gather [hbm:s6], $0x80, v0, vm1, $0x38;
	[tilespmem:$0x14280] =	vst v63  }
0x2e: {  	s16 =	simm.s32 $0x80;
	v0 =	vld.msk [tilespmem:s15+$0x0 ss:$0x1], $0xffff;
	s15 =	smov.u32 s12  }
.LBB2_3:
0x2f: {  	p1 =	sne.s32 s16, $0x4C0;
	_ =	sdelay $0x4  }
0x30: {  	vm2 =	vgt.s32 v0, $0x0  }
0x31: {  	v0 =	vnsel vm2, $0x0, v0  }
0x32: {  	v0 =	vmin.u32 v0, $0x1869F  }
0x33: {  	v0 =	vshll.u32 v0, $0x4;
	_ =	sdelay $0x3  }
.Ltmp3:
0x34: {  	s17 =	sshra.s32 s16, $0x2;
	s15 =	sadd.s32 $0x800, s15;
	(pc) =	sbr.rel @p1 .LBB2_3-.Ltmp3, $4  }
0x35: {  	[tilespmem:s15], [sflag:$0x1] =	stream.indirect_vreg.gather [hbm:s6], $0x80, v0, vm0, $0x38;
	[tilespmem:$0x14280] =	vst v63  }
0x36: {  	s17 =	sadd.s32 s17, s14;
	s18 =	sadd.s32 $0x400, s15  }
0x37: {  	[tilespmem:s18], [sflag:$0x1] =	stream.indirect_vreg.gather [hbm:s6], $0x80, v0, vm1, $0x38;
	[tilespmem:$0x14280] =	vst v63  }
0x38: {  	s16 =	sadd.s32 $0x40, s16;
	v0 =	vld.msk [tilespmem:s17+$0x0 ss:$0x1], $0xffff  }
0x39: {  	_ =	sdelay $0x3  }
0x3a: {  	vm2 =	vgt.s32 v0, $0x0  }
0x3b: {  	v0 =	vnsel vm2, $0x0, v0  }
0x3c: {  	v0 =	vmin.u32 v0, $0x1869F  }
0x3d: {  	v0 =	vshll.u32 v0, $0x4;
	_ =	sdelay $0x3  }
0x3e: {  	s14 =	sadd.s32 $0x800, s15  }
0x3f: {  	[tilespmem:s14], [sflag:$0x1] =	stream.indirect_vreg.gather [hbm:s6], $0x80, v0, vm0, $0x38;
	[tilespmem:$0x14280] =	vst v63  }
0x40: {  	s14 =	sadd.s32 $0x400, s14  }
0x41: {  	[tilespmem:s14], [sflag:$0x1] =	stream.indirect_vreg.gather [hbm:s6], $0x80, v0, vm1, $0x38;
	[tilespmem:$0x14280] =	vst v63  }
0x42: {  	s11 =	sshll.u32 s11, $0x4;
	_ =	swait.ge [sflag:s3], $0xA000  }
0x43: {  	s11 =	sadd.s32 s11, s2;
	[sflag:s3] =	ssyncset.done $0x0  }
0x44: {  	s15 =	sadd.s32 $0x0, s11;
	s14 =	simm.s32 $0x80;
	[sflag:s3] =	ssyncadd.s32 $0xFFFF6000  }
.LBB2_5:
0x45: {  	[hbm:s15] =	stream.linear.scatter [tilespmem:s12], [sflag:$0x3], $0x400, $0x38;
	[tilespmem:$0x14280] =	vst v63  }
0x46: {  	s15 =	smov.u32 s14;
	s12 =	smov.u32 s13;
	p1 =	sne.s32 s14, $0x1380  }
.Ltmp4:
0x47: {  	s14 =	sadd.s32 $0x80, s14;
	(pc) =	sbr.rel @p1 .LBB2_5-.Ltmp4, $2  }
0x48: {  	_ =	sdelay $0x2  }
0x49: {  	s13 =	sadd.s32 $0x400, s13;
	s15 =	sadd.s32 s15, s11  }
.Ltmp5:
0x4a: {  	_ = 	snop;
	(pc) =	sbr.rel .LBB2_6-.Ltmp5, $1  }
0x4b: {  	_ =	sdelay $0x3  }
.LBB2_8:
0x4c: {  	_ =	sfence.sel $0x180000  }
0x4d: {  	s2 =	simm.s32 $0x2;
	[bflag:$0x0] =	sbarrier.arrive $0xFFFF  }
0x4e: {  	s30 =	simm.s32 $0x3;
	[sflag:s2] =	ssyncpa.u1 $0x1  }
0x4f: {  	s31 =	simm.s32 $0x1;
	[sflag:s30] =	ssyncpa.u1 $0x1  }
0x50: {  	[sflag:s31] =	ssyncpa.u1 $0x1  }
0x51: {  	p0 =	sne.s32 s1, $0x0;
	_ =	strace $0x90000047  }
0x52: {  	s0 =	sadd.s32 @!p0 $0x100000, s0;
	[bflag:$0x2] =	sbarrier.arrive $0xFFFF  }
0x53: {  	[sflag:s0] =	ssyncadd.tile.s32 @!p0 $0x1;
	_ =	shalt  }
.Lfunc_end2:
_tile_overlayer_lowered:
.L_overlay_start_2:
0x54: {  	(tag) =	ssettag $0x2  }
0x55: {  	s0 =	rddreg [dreg:$0x0];
	s2 =	stileid.u32  }
0x56: {  	s1 =	rddreg [dreg:$0x1];
	p0 =	sne.s32 s2, $0x0  }
0x57: {  	s3 =	rddreg [dreg:$0x2];
	[bflag:$0x3] =	sbarrier.arrive $0xFFFF;
	s2 =	simm.s32 @!p0 $0x1C01  }
0x58: {  	[timem:s3], [sflag:s2] =	dma.local @!p0 [hbm:s0], s1  }
0x59: {  	s0 =	simm.s32 @!p0 $0x1  }
0x5a: {  	_ =	swait.ge @!p0 [sflag:s0], s1  }
0x5b: {  	s1 =	ssub.s32 @!p0 $0x0, s1;
	[sflag:s0] =	ssyncset.done @!p0 $0x0  }
0x5c: {  	[sflag:s0] =	ssyncadd.s32 @!p0 s1  }
0x5d: {  	[bflag:$0x3] =	sbarrier.arrive $0xFFFF  }
0x5e: {  	_ =	shalt  }

</sc_bundles>
